<compile_context>
chip_gen: v7x
topology: tpu7x:2x2x1
jax: 0.10.2.dev20260603
libtpu: 0.0.44.dev20260713+nightly
codegen_flags: <defaults>
</compile_context>

<pallas_src>
import functools

import jax
import jax.numpy as jnp
from jax import lax
from jax.experimental import pallas as pl
from jax.experimental.pallas import tpu as pltpu
from jax.experimental.pallas import tpu_sc as plsc

TOP_K = 2
NOISE_EPS = 0.01

_SC_INFO = plsc.get_sparse_core_info()
_NC, _NS, _L = _SC_INFO.num_cores, _SC_INFO.num_subcores, _SC_INFO.num_lanes
_NW = _NC * _NS


@functools.lru_cache(maxsize=None)
def _noise_const(n, e):
    return jnp.transpose(
        jax.random.normal(jax.random.key(42), (n, e), dtype=jnp.float32))


def _logits_kernel(hs_ref, w_ref, noise_ref, sumv_ref, router_ref, stddev_ref,
                   *, e):
    logits = lax.dot_general(
        w_ref[...], hs_ref[...], (((1,), (1,)), ((), ())),
        preferred_element_type=jnp.float32)
    router = logits[:e, :]
    noise_logits = logits[e:, :]
    stddev = jnp.log1p(jnp.exp(noise_logits)) + NOISE_EPS
    router_ref[...] = router
    stddev_ref[...] = stddev
    sumv_ref[...] = router + noise_ref[...] * stddev


def _sc_router(sumv_hbm, rw0_hbm, rw1_hbm, sel0_hbm, sel1_hbm, l1_hbm, l2_hbm,
               buf, orw0, orw1, osel0, osel1, ol1, ol2, *, tpw, e):
    wid = lax.axis_index("s") * _NC + lax.axis_index("c")
    base = wid * tpw
    pltpu.sync_copy(sumv_hbm.at[:, pl.ds(base, tpw)], buf)

    def group(g, carry):
        off = g * _L
        neg_inf = jnp.full((_L,), -jnp.inf, jnp.float32)
        m0 = neg_inf
        m1 = neg_inf
        m2 = neg_inf
        i0 = jnp.zeros((_L,), jnp.int32)
        i1 = jnp.zeros((_L,), jnp.int32)
        for ee in range(e):
            v = buf[ee, pl.ds(off, _L)]
            c0 = v > m0
            c1 = v > m1
            c2 = v > m2
            en = jnp.full((_L,), ee, jnp.int32)
            i1 = jnp.where(c0, i0, jnp.where(c1, en, i1))
            i0 = jnp.where(c0, en, i0)
            m2 = jnp.where(c0 | c1, m1, jnp.where(c2, v, m2))
            m1 = jnp.where(c0, m0, jnp.where(c1, v, m1))
            m0 = jnp.where(c0, v, m0)
        ex = jnp.exp(m1 - m0)
        r = 1.0 / (1.0 + ex)
        orw0[pl.ds(off, _L)] = r
        orw1[pl.ds(off, _L)] = ex * r
        osel0[pl.ds(off, _L)] = i0
        osel1[pl.ds(off, _L)] = i1
        ol1[pl.ds(off, _L)] = m1
        ol2[pl.ds(off, _L)] = m2
        return carry

    lax.fori_loop(0, tpw // _L, group, 0)

    pltpu.sync_copy(orw0, rw0_hbm.at[pl.ds(base, tpw)])
    pltpu.sync_copy(orw1, rw1_hbm.at[pl.ds(base, tpw)])
    pltpu.sync_copy(osel0, sel0_hbm.at[pl.ds(base, tpw)])
    pltpu.sync_copy(osel1, sel1_hbm.at[pl.ds(base, tpw)])
    pltpu.sync_copy(ol1, l1_hbm.at[pl.ds(base, tpw)])
    pltpu.sync_copy(ol2, l2_hbm.at[pl.ds(base, tpw)])


def _post_kernel(router_ref, stddev_ref, l1_ref, l2_ref,
                 s0_ref, s1_ref, mask_ref, load_ref, *, bt, e):
    l1 = l1_ref[...]
    l2 = l2_ref[...]
    e_iota = lax.broadcasted_iota(jnp.int32, (e, bt), 0)
    in_top2 = (e_iota == s0_ref[...]) | (e_iota == s1_ref[...])
    thr = jnp.where(in_top2, l2, l1)
    scale = jnp.float32(0.7071067811865475) / stddev_ref[...]
    load_ref[...] = 0.5 * (1.0 + lax.erf((router_ref[...] - thr) * scale))

    sel_k = jnp.concatenate(
        [s0_ref[...][:, None, :], s1_ref[...][:, None, :]], axis=1)
    e_iota3 = lax.broadcasted_iota(jnp.int32, (e, TOP_K, bt), 0)
    mask_ref[...] = (e_iota3 == sel_k).astype(jnp.int32)


def kernel(x, W_route, W_noise):
    b, s, d = x.shape
    n = b * s
    e = W_route.shape[0]
    hs = x.reshape(n, d)
    w = jnp.concatenate([W_route, W_noise], axis=0)
    noise = _noise_const(n, e)

    bt = 1024 if n % 1024 == 0 else n
    grid = (n // bt,)

    body_a = functools.partial(_logits_kernel, e=e)
    sumv, router, stddev = pl.pallas_call(
        body_a,
        grid=grid,
        in_specs=[
            pl.BlockSpec((bt, d), lambda i: (i, 0)),
            pl.BlockSpec((2 * e, d), lambda i: (0, 0)),
            pl.BlockSpec((e, bt), lambda i: (0, i)),
        ],
        out_specs=[
            pl.BlockSpec((e, bt), lambda i: (0, i)),
            pl.BlockSpec((e, bt), lambda i: (0, i)),
            pl.BlockSpec((e, bt), lambda i: (0, i)),
        ],
        out_shape=[
            jax.ShapeDtypeStruct((e, n), jnp.float32),
            jax.ShapeDtypeStruct((e, n), jnp.float32),
            jax.ShapeDtypeStruct((e, n), jnp.float32),
        ],
        compiler_params=pltpu.CompilerParams(
            dimension_semantics=(pltpu.PARALLEL,),
            vmem_limit_bytes=100 * 1024 * 1024,
        ),
    )(hs, w, noise)

    tpw = n // _NW
    mesh = plsc.VectorSubcoreMesh(core_axis_name="c", subcore_axis_name="s")
    sc_body = functools.partial(_sc_router, tpw=tpw, e=e)
    sc_call = pl.kernel(
        sc_body,
        out_type=[
            jax.ShapeDtypeStruct((n,), jnp.float32),
            jax.ShapeDtypeStruct((n,), jnp.float32),
            jax.ShapeDtypeStruct((n,), jnp.int32),
            jax.ShapeDtypeStruct((n,), jnp.int32),
            jax.ShapeDtypeStruct((n,), jnp.float32),
            jax.ShapeDtypeStruct((n,), jnp.float32),
        ],
        mesh=mesh,
        scratch_types=[
            pltpu.VMEM((e, tpw), jnp.float32),
            pltpu.VMEM((tpw,), jnp.float32),
            pltpu.VMEM((tpw,), jnp.float32),
            pltpu.VMEM((tpw,), jnp.int32),
            pltpu.VMEM((tpw,), jnp.int32),
            pltpu.VMEM((tpw,), jnp.float32),
            pltpu.VMEM((tpw,), jnp.float32),
        ],
    )
    rw0, rw1, sel0, sel1, l1, l2 = sc_call(sumv)

    body_c = functools.partial(_post_kernel, bt=bt, e=e)
    mask, load_t = pl.pallas_call(
        body_c,
        grid=grid,
        in_specs=[
            pl.BlockSpec((e, bt), lambda i: (0, i)),
            pl.BlockSpec((e, bt), lambda i: (0, i)),
            pl.BlockSpec((1, bt), lambda i: (0, i)),
            pl.BlockSpec((1, bt), lambda i: (0, i)),
            pl.BlockSpec((1, bt), lambda i: (0, i)),
            pl.BlockSpec((1, bt), lambda i: (0, i)),
        ],
        out_specs=[
            pl.BlockSpec((e, TOP_K, bt), lambda i: (0, 0, i)),
            pl.BlockSpec((e, bt), lambda i: (0, i)),
        ],
        out_shape=[
            jax.ShapeDtypeStruct((e, TOP_K, n), jnp.int32),
            jax.ShapeDtypeStruct((e, n), jnp.float32),
        ],
        compiler_params=pltpu.CompilerParams(
            dimension_semantics=(pltpu.PARALLEL,),
            vmem_limit_bytes=100 * 1024 * 1024,
        ),
    )(router, stddev,
      l1.reshape(1, n), l2.reshape(1, n),
      sel0.reshape(1, n), sel1.reshape(1, n))

    rw = jnp.concatenate([rw0[:, None], rw1[:, None]], axis=1)
    sel = jnp.concatenate([sel0[:, None], sel1[:, None]], axis=1)
    return (rw, sel, mask, jnp.transpose(load_t))

# --- scband reference (transcript-rebuilt; emitter-appended) ---
"""Pipeline reference for scband-gating-network-13116830122384 (READ-ONLY COPY).

The authoritative reference and input builder live on the scoring server;
editing this copy changes nothing except your own understanding.
"""

import jax, jax.numpy as jnp
import numpy as np

N_EMBED = 2048
NUM_EXPERTS = 64
TOP_K = 2
NOISE_EPS = 0.01
BATCH = 4
SEQ = 4096


def setup_inputs(seed: int = 0) -> dict:
    key = jax.random.key(seed)
    k1, k2, k3 = jax.random.split(key, 3)
    x = jax.random.normal(k1, (BATCH, SEQ, N_EMBED), dtype=jnp.float32)
    bound = 1.0 / np.sqrt(N_EMBED)
    W_route = jax.random.uniform(k2, (NUM_EXPERTS, N_EMBED), minval=-bound, maxval=bound, dtype=jnp.float32)
    W_noise = jax.random.uniform(k3, (NUM_EXPERTS, N_EMBED), minval=-bound, maxval=bound, dtype=jnp.float32)
    return {"x": x, "W_route": W_route, "W_noise": W_noise}


def _norm_cdf(v):
    return 0.5 * (1.0 + jax.lax.erf(v / jnp.sqrt(2.0).astype(v.dtype)))


def _load_loss_v2(clean_values, noisy_values, noise_stddev, noisy_top_values, topk=TOP_K):
    n = clean_values.shape[0]
    m = noisy_top_values.shape[1]
    top_values_flat = noisy_top_values.reshape(-1)
    threshold_positions_if_in = jnp.arange(n) * m + topk
    threshold_if_in = jnp.take(top_values_flat, threshold_positions_if_in)[:, None]
    is_in = noisy_values > threshold_if_in
    threshold_positions_if_out = threshold_positions_if_in - 1
    threshold_if_out = jnp.take(top_values_flat, threshold_positions_if_out)[:, None]
    prob_if_in = _norm_cdf((clean_values - threshold_if_in) / noise_stddev)
    prob_if_out = _norm_cdf((clean_values - threshold_if_out) / noise_stddev)
    prob = jnp.where(is_in, prob_if_in, prob_if_out)
    return prob


def reference(x, W_route, W_noise):
    b, s, d = x.shape
    hidden_states = x.reshape(-1, d)
    router_logits = hidden_states @ W_route.T
    noise_logits = hidden_states @ W_noise.T
    noise_stddev = jax.nn.softplus(noise_logits) + NOISE_EPS
    noise = jax.random.normal(jax.random.key(42), router_logits.shape, dtype=router_logits.dtype) * noise_stddev
    sum_logits = router_logits + noise
    kk = min(TOP_K + 1, NUM_EXPERTS)
    top_logits, top_indices = jax.lax.top_k(sum_logits, kk)
    routing_weights = top_logits[:, :TOP_K]
    selected_experts = top_indices[:, :TOP_K]
    rw = jax.nn.softmax(routing_weights.astype(jnp.float32), axis=1)
    rw = rw / jnp.sum(rw, axis=-1, keepdims=True)
    rw = rw.astype(hidden_states.dtype)
    expert_mask = jax.nn.one_hot(selected_experts, NUM_EXPERTS, dtype=jnp.int32).transpose(2, 1, 0)
    # gates (scatter of routing weights into dense [N, E]) -- computed as in torch
    n_tok = sum_logits.shape[0]
    gates = jnp.zeros_like(sum_logits).at[jnp.arange(n_tok)[:, None], selected_experts].set(rw)
    if TOP_K < NUM_EXPERTS:
        load = _load_loss_v2(router_logits, sum_logits, noise_stddev, top_logits)
    else:
        load = (gates > 0).sum(0)
    return (rw, selected_experts, expert_mask, load)

if __name__ == "__main__":
    import jax
    _d = setup_inputs()
    print(jax.jit(kernel)(*tuple(_d.values())))

</pallas_src>

<mosaic_0001>
#map = affine_map<(d0, d1) -> (0, 0)>
#map1 = affine_map<(d0, d1) -> (0)>
module attributes {stable_mosaic.version = 14 : i64} {
  func.func @_sc_router(%arg0: i32, %arg1: i32, %arg2: memref<64x16384xf32, #tpu.memory_space<hbm>>, %arg3: memref<16384xf32, #tpu.memory_space<hbm>>, %arg4: memref<16384xf32, #tpu.memory_space<hbm>>, %arg5: memref<16384xi32, #tpu.memory_space<hbm>>, %arg6: memref<16384xi32, #tpu.memory_space<hbm>>, %arg7: memref<16384xf32, #tpu.memory_space<hbm>>, %arg8: memref<16384xf32, #tpu.memory_space<hbm>>, %arg9: memref<64x512xf32, #tpu.memory_space<vmem>>, %arg10: memref<512xf32, #tpu.memory_space<vmem>>, %arg11: memref<512xf32, #tpu.memory_space<vmem>>, %arg12: memref<512xi32, #tpu.memory_space<vmem>>, %arg13: memref<512xi32, #tpu.memory_space<vmem>>, %arg14: memref<512xf32, #tpu.memory_space<vmem>>, %arg15: memref<512xf32, #tpu.memory_space<vmem>>) attributes {dimension_semantics = [#tpu.dimension_semantics<core_parallel>, #tpu.dimension_semantics<subcore_parallel>], iteration_bounds = array<i64: 2, 16>, scalar_prefetch = 0 : i64, scratch_operands = 7 : i64, tpu.core_type = #tpu.core_type<sc_vector_subcore>, window_params = [{transform_indices = #map}, {transform_indices = #map1}, {transform_indices = #map1}, {transform_indices = #map1}, {transform_indices = #map1}, {transform_indices = #map1}, {transform_indices = #map1}]} {
    %mul3A = arith.constant 2 : i32
    %mul3A_0 = arith.muli %arg1, %mul3A : i32
    %add3A = arith.addi %mul3A_0, %arg0 : i32
    %mul3A_1 = arith.constant 512 : i32
    %mul3A_2 = arith.muli %add3A, %mul3A_1 : i32
    "tpu.region"() ({
      %run_scoped3A = tpu.sem_alloc : memref<!tpu.dma_semaphore, #tpu.memory_space<semaphore_mem>>
      %dma_start3A = arith.constant 0 : i32
      %dma_start3A_8 = tpu.memref_slice %arg2[%dma_start3A, %mul3A_2] : memref<64x16384xf32, #tpu.memory_space<hbm>> -> memref<64x512xf32, #tpu.memory_space<hbm>>
      %dma_start3A_9 = arith.constant 0 : i32
      %dma_start3A_10 = tpu.memref_slice %arg2[%dma_start3A_9, %mul3A_2] : memref<64x16384xf32, #tpu.memory_space<hbm>> -> memref<64x512xf32, #tpu.memory_space<hbm>>
      tpu.enqueue_dma source(%dma_start3A_10 : memref<64x512xf32, #tpu.memory_space<hbm>>) target(%arg9 : memref<64x512xf32, #tpu.memory_space<vmem>>) target_semaphore(%run_scoped3A : memref<!tpu.dma_semaphore, #tpu.memory_space<semaphore_mem>>)
      %dma_wait3A = arith.constant 0 : i32
      %dma_wait3A_11 = tpu.memref_slice %arg2[%dma_wait3A, %mul3A_2] : memref<64x16384xf32, #tpu.memory_space<hbm>> -> memref<64x512xf32, #tpu.memory_space<hbm>>
      %dma_wait3A_12 = arith.constant 0 : i32
      %dma_wait3A_13 = tpu.memref_slice %arg2[%dma_wait3A_12, %mul3A_2] : memref<64x16384xf32, #tpu.memory_space<hbm>> -> memref<64x512xf32, #tpu.memory_space<hbm>>
      tpu.wait_dma2 semaphore(%run_scoped3A : memref<!tpu.dma_semaphore, #tpu.memory_space<semaphore_mem>>) src(%dma_wait3A_13 : memref<64x512xf32, #tpu.memory_space<hbm>>) dst(%arg9 : memref<64x512xf32, #tpu.memory_space<vmem>>)
      tpu.yield
    }) : () -> ()
    %scan3A = arith.constant 0 : i32
    %scan3A_3 = arith.constant 0 : i32
    %scan3A_4 = arith.constant 32 : i32
    %scan3A_5 = arith.addi %scan3A_3, %scan3A_4 : i32
    %scan3A_6 = arith.constant 1 : i32
    scf.for %scan3A_8 = %scan3A_3 to %scan3A_5 step %scan3A_6  : i32 {
      %mul3A_9 = arith.constant 16 : i32
      %mul3A_10 = arith.muli %scan3A_8, %mul3A_9 : i32
      %broadcast_in_dim3A = arith.constant 0xFF800000 : f32
      %broadcast_in_dim3A_11 = vector.broadcast %broadcast_in_dim3A : f32 to vector<16xf32>
      %broadcast_in_dim3A_12 = arith.constant 0 : i32
      %broadcast_in_dim3A_13 = vector.broadcast %broadcast_in_dim3A_12 : i32 to vector<16xi32>
      %broadcast_in_dim3A_14 = arith.constant 0 : i32
      %broadcast_in_dim3A_15 = vector.broadcast %broadcast_in_dim3A_14 : i32 to vector<16xi32>
      %get3A = arith.constant 0 : i32
      %get3A_16 = arith.index_cast %get3A : i32 to index
      %get3A_17 = arith.index_cast %mul3A_10 : i32 to index
      %get3A_18 = tpu.vector_load %arg9[%get3A_16, %get3A_17] {strides = array<i32>} : memref<64x512xf32, #tpu.memory_space<vmem>>, vector<1x16xf32>,
      %get3A_19 = vector.shape_cast %get3A_18 : vector<1x16xf32> to vector<16xf32>
      %gt3A = arith.cmpf ogt, %get3A_19, %broadcast_in_dim3A_11 : vector<16xf32>
      %gt3A_20 = arith.cmpf ogt, %get3A_19, %broadcast_in_dim3A_11 : vector<16xf32>
      %gt3A_21 = arith.cmpf ogt, %get3A_19, %broadcast_in_dim3A_11 : vector<16xf32>
      %broadcast_in_dim3A_22 = arith.constant 0 : i32
      %broadcast_in_dim3A_23 = vector.broadcast %broadcast_in_dim3A_22 : i32 to vector<16xi32>
      %select_n3A = arith.select %gt3A_20, %broadcast_in_dim3A_23, %broadcast_in_dim3A_15 : vector<16xi1>, vector<16xi32>
      %select_n3A_24 = arith.select %gt3A, %broadcast_in_dim3A_13, %select_n3A : vector<16xi1>, vector<16xi32>
      %select_n3A_25 = arith.select %gt3A, %broadcast_in_dim3A_23, %broadcast_in_dim3A_13 : vector<16xi1>, vector<16xi32>
      %or3A = arith.ori %gt3A, %gt3A_20 : vector<16xi1>
      %select_n3A_26 = arith.select %gt3A_21, %get3A_19, %broadcast_in_dim3A_11 : vector<16xi1>, vector<16xf32>
      %select_n3A_27 = arith.select %or3A, %broadcast_in_dim3A_11, %select_n3A_26 : vector<16xi1>, vector<16xf32>
      %select_n3A_28 = arith.select %gt3A_20, %get3A_19, %broadcast_in_dim3A_11 : vector<16xi1>, vector<16xf32>
      %select_n3A_29 = arith.select %gt3A, %broadcast_in_dim3A_11, %select_n3A_28 : vector<16xi1>, vector<16xf32>
      %select_n3A_30 = arith.select %gt3A, %get3A_19, %broadcast_in_dim3A_11 : vector<16xi1>, vector<16xf32>
      %get3A_31 = arith.constant 1 : i32
      %get3A_32 = arith.index_cast %get3A_31 : i32 to index
      %get3A_33 = arith.index_cast %mul3A_10 : i32 to index
      %get3A_34 = tpu.vector_load %arg9[%get3A_32, %get3A_33] {strides = array<i32>} : memref<64x512xf32, #tpu.memory_space<vmem>>, vector<1x16xf32>,
      %get3A_35 = vector.shape_cast %get3A_34 : vector<1x16xf32> to vector<16xf32>
      %gt3A_36 = arith.cmpf ogt, %get3A_35, %select_n3A_30 : vector<16xf32>
      %gt3A_37 = arith.cmpf ogt, %get3A_35, %select_n3A_29 : vector<16xf32>
      %gt3A_38 = arith.cmpf ogt, %get3A_35, %select_n3A_27 : vector<16xf32>
      %broadcast_in_dim3A_39 = arith.constant 1 : i32
      %broadcast_in_dim3A_40 = vector.broadcast %broadcast_in_dim3A_39 : i32 to vector<16xi32>
      %select_n3A_41 = arith.select %gt3A_37, %broadcast_in_dim3A_40, %select_n3A_24 : vector<16xi1>, vector<16xi32>
      %select_n3A_42 = arith.select %gt3A_36, %select_n3A_25, %select_n3A_41 : vector<16xi1>, vector<16xi32>
      %select_n3A_43 = arith.select %gt3A_36, %broadcast_in_dim3A_40, %select_n3A_25 : vector<16xi1>, vector<16xi32>
      %or3A_44 = arith.ori %gt3A_36, %gt3A_37 : vector<16xi1>
      %select_n3A_45 = arith.select %gt3A_38, %get3A_35, %select_n3A_27 : vector<16xi1>, vector<16xf32>
      %select_n3A_46 = arith.select %or3A_44, %select_n3A_29, %select_n3A_45 : vector<16xi1>, vector<16xf32>
      %select_n3A_47 = arith.select %gt3A_37, %get3A_35, %select_n3A_29 : vector<16xi1>, vector<16xf32>
      %select_n3A_48 = arith.select %gt3A_36, %select_n3A_30, %select_n3A_47 : vector<16xi1>, vector<16xf32>
      %select_n3A_49 = arith.select %gt3A_36, %get3A_35, %select_n3A_30 : vector<16xi1>, vector<16xf32>
      %get3A_50 = arith.constant 2 : i32
      %get3A_51 = arith.index_cast %get3A_50 : i32 to index
      %get3A_52 = arith.index_cast %mul3A_10 : i32 to index
      %get3A_53 = tpu.vector_load %arg9[%get3A_51, %get3A_52] {strides = array<i32>} : memref<64x512xf32, #tpu.memory_space<vmem>>, vector<1x16xf32>,
      %get3A_54 = vector.shape_cast %get3A_53 : vector<1x16xf32> to vector<16xf32>
      %gt3A_55 = arith.cmpf ogt, %get3A_54, %select_n3A_49 : vector<16xf32>
      %gt3A_56 = arith.cmpf ogt, %get3A_54, %select_n3A_48 : vector<16xf32>
      %gt3A_57 = arith.cmpf ogt, %get3A_54, %select_n3A_46 : vector<16xf32>
      %broadcast_in_dim3A_58 = arith.constant 2 : i32
      %broadcast_in_dim3A_59 = vector.broadcast %broadcast_in_dim3A_58 : i32 to vector<16xi32>
      %select_n3A_60 = arith.select %gt3A_56, %broadcast_in_dim3A_59, %select_n3A_42 : vector<16xi1>, vector<16xi32>
      %select_n3A_61 = arith.select %gt3A_55, %select_n3A_43, %select_n3A_60 : vector<16xi1>, vector<16xi32>
      %select_n3A_62 = arith.select %gt3A_55, %broadcast_in_dim3A_59, %select_n3A_43 : vector<16xi1>, vector<16xi32>
      %or3A_63 = arith.ori %gt3A_55, %gt3A_56 : vector<16xi1>
      %select_n3A_64 = arith.select %gt3A_57, %get3A_54, %select_n3A_46 : vector<16xi1>, vector<16xf32>
      %select_n3A_65 = arith.select %or3A_63, %select_n3A_48, %select_n3A_64 : vector<16xi1>, vector<16xf32>
      %select_n3A_66 = arith.select %gt3A_56, %get3A_54, %select_n3A_48 : vector<16xi1>, vector<16xf32>
      %select_n3A_67 = arith.select %gt3A_55, %select_n3A_49, %select_n3A_66 : vector<16xi1>, vector<16xf32>
      %select_n3A_68 = arith.select %gt3A_55, %get3A_54, %select_n3A_49 : vector<16xi1>, vector<16xf32>
      %get3A_69 = arith.constant 3 : i32
      %get3A_70 = arith.index_cast %get3A_69 : i32 to index
      %get3A_71 = arith.index_cast %mul3A_10 : i32 to index
      %get3A_72 = tpu.vector_load %arg9[%get3A_70, %get3A_71] {strides = array<i32>} : memref<64x512xf32, #tpu.memory_space<vmem>>, vector<1x16xf32>,
      %get3A_73 = vector.shape_cast %get3A_72 : vector<1x16xf32> to vector<16xf32>
      %gt3A_74 = arith.cmpf ogt, %get3A_73, %select_n3A_68 : vector<16xf32>
      %gt3A_75 = arith.cmpf ogt, %get3A_73, %select_n3A_67 : vector<16xf32>
      %gt3A_76 = arith.cmpf ogt, %get3A_73, %select_n3A_65 : vector<16xf32>
      %broadcast_in_dim3A_77 = arith.constant 3 : i32
      %broadcast_in_dim3A_78 = vector.broadcast %broadcast_in_dim3A_77 : i32 to vector<16xi32>
      %select_n3A_79 = arith.select %gt3A_75, %broadcast_in_dim3A_78, %select_n3A_61 : vector<16xi1>, vector<16xi32>
      %select_n3A_80 = arith.select %gt3A_74, %select_n3A_62, %select_n3A_79 : vector<16xi1>, vector<16xi32>
      %select_n3A_81 = arith.select %gt3A_74, %broadcast_in_dim3A_78, %select_n3A_62 : vector<16xi1>, vector<16xi32>
      %or3A_82 = arith.ori %gt3A_74, %gt3A_75 : vector<16xi1>
      %select_n3A_83 = arith.select %gt3A_76, %get3A_73, %select_n3A_65 : vector<16xi1>, vector<16xf32>
      %select_n3A_84 = arith.select %or3A_82, %select_n3A_67, %select_n3A_83 : vector<16xi1>, vector<16xf32>
      %select_n3A_85 = arith.select %gt3A_75, %get3A_73, %select_n3A_67 : vector<16xi1>, vector<16xf32>
      %select_n3A_86 = arith.select %gt3A_74, %select_n3A_68, %select_n3A_85 : vector<16xi1>, vector<16xf32>
      %select_n3A_87 = arith.select %gt3A_74, %get3A_73, %select_n3A_68 : vector<16xi1>, vector<16xf32>
      %get3A_88 = arith.constant 4 : i32
      %get3A_89 = arith.index_cast %get3A_88 : i32 to index
      %get3A_90 = arith.index_cast %mul3A_10 : i32 to index
      %get3A_91 = tpu.vector_load %arg9[%get3A_89, %get3A_90] {strides = array<i32>} : memref<64x512xf32, #tpu.memory_space<vmem>>, vector<1x16xf32>,
      %get3A_92 = vector.shape_cast %get3A_91 : vector<1x16xf32> to vector<16xf32>
      %gt3A_93 = arith.cmpf ogt, %get3A_92, %select_n3A_87 : vector<16xf32>
      %gt3A_94 = arith.cmpf ogt, %get3A_92, %select_n3A_86 : vector<16xf32>
      %gt3A_95 = arith.cmpf ogt, %get3A_92, %select_n3A_84 : vector<16xf32>
      %broadcast_in_dim3A_96 = arith.constant 4 : i32
      %broadcast_in_dim3A_97 = vector.broadcast %broadcast_in_dim3A_96 : i32 to vector<16xi32>
      %select_n3A_98 = arith.select %gt3A_94, %broadcast_in_dim3A_97, %select_n3A_80 : vector<16xi1>, vector<16xi32>
      %select_n3A_99 = arith.select %gt3A_93, %select_n3A_81, %select_n3A_98 : vector<16xi1>, vector<16xi32>
      %select_n3A_100 = arith.select %gt3A_93, %broadcast_in_dim3A_97, %select_n3A_81 : vector<16xi1>, vector<16xi32>
      %or3A_101 = arith.ori %gt3A_93, %gt3A_94 : vector<16xi1>
      %select_n3A_102 = arith.select %gt3A_95, %get3A_92, %select_n3A_84 : vector<16xi1>, vector<16xf32>
      %select_n3A_103 = arith.select %or3A_101, %select_n3A_86, %select_n3A_102 : vector<16xi1>, vector<16xf32>
      %select_n3A_104 = arith.select %gt3A_94, %get3A_92, %select_n3A_86 : vector<16xi1>, vector<16xf32>
      %select_n3A_105 = arith.select %gt3A_93, %select_n3A_87, %select_n3A_104 : vector<16xi1>, vector<16xf32>
      %select_n3A_106 = arith.select %gt3A_93, %get3A_92, %select_n3A_87 : vector<16xi1>, vector<16xf32>
      %get3A_107 = arith.constant 5 : i32
      %get3A_108 = arith.index_cast %get3A_107 : i32 to index
      %get3A_109 = arith.index_cast %mul3A_10 : i32 to index
      %get3A_110 = tpu.vector_load %arg9[%get3A_108, %get3A_109] {strides = array<i32>} : memref<64x512xf32, #tpu.memory_space<vmem>>, vector<1x16xf32>,
      %get3A_111 = vector.shape_cast %get3A_110 : vector<1x16xf32> to vector<16xf32>
      %gt3A_112 = arith.cmpf ogt, %get3A_111, %select_n3A_106 : vector<16xf32>
      %gt3A_113 = arith.cmpf ogt, %get3A_111, %select_n3A_105 : vector<16xf32>
      %gt3A_114 = arith.cmpf ogt, %get3A_111, %select_n3A_103 : vector<16xf32>
      %broadcast_in_dim3A_115 = arith.constant 5 : i32
      %broadcast_in_dim3A_116 = vector.broadcast %broadcast_in_dim3A_115 : i32 to vector<16xi32>
      %select_n3A_117 = arith.select %gt3A_113, %broadcast_in_dim3A_116, %select_n3A_99 : vector<16xi1>, vector<16xi32>
      %select_n3A_118 = arith.select %gt3A_112, %select_n3A_100, %select_n3A_117 : vector<16xi1>, vector<16xi32>
      %select_n3A_119 = arith.select %gt3A_112, %broadcast_in_dim3A_116, %select_n3A_100 : vector<16xi1>, vector<16xi32>
      %or3A_120 = arith.ori %gt3A_112, %gt3A_113 : vector<16xi1>
      %select_n3A_121 = arith.select %gt3A_114, %get3A_111, %select_n3A_103 : vector<16xi1>, vector<16xf32>
      %select_n3A_122 = arith.select %or3A_120, %select_n3A_105, %select_n3A_121 : vector<16xi1>, vector<16xf32>
      %select_n3A_123 = arith.select %gt3A_113, %get3A_111, %select_n3A_105 : vector<16xi1>, vector<16xf32>
      %select_n3A_124 = arith.select %gt3A_112, %select_n3A_106, %select_n3A_123 : vector<16xi1>, vector<16xf32>
      %select_n3A_125 = arith.select %gt3A_112, %get3A_111, %select_n3A_106 : vector<16xi1>, vector<16xf32>
      %get3A_126 = arith.constant 6 : i32
      %get3A_127 = arith.index_cast %get3A_126 : i32 to index
      %get3A_128 = arith.index_cast %mul3A_10 : i32 to index
      %get3A_129 = tpu.vector_load %arg9[%get3A_127, %get3A_128] {strides = array<i32>} : memref<64x512xf32, #tpu.memory_space<vmem>>, vector<1x16xf32>,
      %get3A_130 = vector.shape_cast %get3A_129 : vector<1x16xf32> to vector<16xf32>
      %gt3A_131 = arith.cmpf ogt, %get3A_130, %select_n3A_125 : vector<16xf32>
      %gt3A_132 = arith.cmpf ogt, %get3A_130, %select_n3A_124 : vector<16xf32>
      %gt3A_133 = arith.cmpf ogt, %get3A_130, %select_n3A_122 : vector<16xf32>
      %broadcast_in_dim3A_134 = arith.constant 6 : i32
      %broadcast_in_dim3A_135 = vector.broadcast %broadcast_in_dim3A_134 : i32 to vector<16xi32>
      %select_n3A_136 = arith.select %gt3A_132, %broadcast_in_dim3A_135, %select_n3A_118 : vector<16xi1>, vector<16xi32>
      %select_n3A_137 = arith.select %gt3A_131, %select_n3A_119, %select_n3A_136 : vector<16xi1>, vector<16xi32>
      %select_n3A_138 = arith.select %gt3A_131, %broadcast_in_dim3A_135, %select_n3A_119 : vector<16xi1>, vector<16xi32>
      %or3A_139 = arith.ori %gt3A_131, %gt3A_132 : vector<16xi1>
      %select_n3A_140 = arith.select %gt3A_133, %get3A_130, %select_n3A_122 : vector<16xi1>, vector<16xf32>
      %select_n3A_141 = arith.select %or3A_139, %select_n3A_124, %select_n3A_140 : vector<16xi1>, vector<16xf32>
      %select_n3A_142 = arith.select %gt3A_132, %get3A_130, %select_n3A_124 : vector<16xi1>, vector<16xf32>
      %select_n3A_143 = arith.select %gt3A_131, %select_n3A_125, %select_n3A_142 : vector<16xi1>, vector<16xf32>
      %select_n3A_144 = arith.select %gt3A_131, %get3A_130, %select_n3A_125 : vector<16xi1>, vector<16xf32>
      %get3A_145 = arith.constant 7 : i32
      %get3A_146 = arith.index_cast %get3A_145 : i32 to index
      %get3A_147 = arith.index_cast %mul3A_10 : i32 to index
      %get3A_148 = tpu.vector_load %arg9[%get3A_146, %get3A_147] {strides = array<i32>} : memref<64x512xf32, #tpu.memory_space<vmem>>, vector<1x16xf32>,
      %get3A_149 = vector.shape_cast %get3A_148 : vector<1x16xf32> to vector<16xf32>
      %gt3A_150 = arith.cmpf ogt, %get3A_149, %select_n3A_144 : vector<16xf32>
      %gt3A_151 = arith.cmpf ogt, %get3A_149, %select_n3A_143 : vector<16xf32>
      %gt3A_152 = arith.cmpf ogt, %get3A_149, %select_n3A_141 : vector<16xf32>
      %broadcast_in_dim3A_153 = arith.constant 7 : i32
      %broadcast_in_dim3A_154 = vector.broadcast %broadcast_in_dim3A_153 : i32 to vector<16xi32>
      %select_n3A_155 = arith.select %gt3A_151, %broadcast_in_dim3A_154, %select_n3A_137 : vector<16xi1>, vector<16xi32>
      %select_n3A_156 = arith.select %gt3A_150, %select_n3A_138, %select_n3A_155 : vector<16xi1>, vector<16xi32>
      %select_n3A_157 = arith.select %gt3A_150, %broadcast_in_dim3A_154, %select_n3A_138 : vector<16xi1>, vector<16xi32>
      %or3A_158 = arith.ori %gt3A_150, %gt3A_151 : vector<16xi1>
      %select_n3A_159 = arith.select %gt3A_152, %get3A_149, %select_n3A_141 : vector<16xi1>, vector<16xf32>
      %select_n3A_160 = arith.select %or3A_158, %select_n3A_143, %select_n3A_159 : vector<16xi1>, vector<16xf32>
      %select_n3A_161 = arith.select %gt3A_151, %get3A_149, %select_n3A_143 : vector<16xi1>, vector<16xf32>
      %select_n3A_162 = arith.select %gt3A_150, %select_n3A_144, %select_n3A_161 : vector<16xi1>, vector<16xf32>
      %select_n3A_163 = arith.select %gt3A_150, %get3A_149, %select_n3A_144 : vector<16xi1>, vector<16xf32>
      %get3A_164 = arith.constant 8 : i32
      %get3A_165 = arith.index_cast %get3A_164 : i32 to index
      %get3A_166 = arith.index_cast %mul3A_10 : i32 to index
      %get3A_167 = tpu.vector_load %arg9[%get3A_165, %get3A_166] {strides = array<i32>} : memref<64x512xf32, #tpu.memory_space<vmem>>, vector<1x16xf32>,
      %get3A_168 = vector.shape_cast %get3A_167 : vector<1x16xf32> to vector<16xf32>
      %gt3A_169 = arith.cmpf ogt, %get3A_168, %select_n3A_163 : vector<16xf32>
      %gt3A_170 = arith.cmpf ogt, %get3A_168, %select_n3A_162 : vector<16xf32>
      %gt3A_171 = arith.cmpf ogt, %get3A_168, %select_n3A_160 : vector<16xf32>
      %broadcast_in_dim3A_172 = arith.constant 8 : i32
      %broadcast_in_dim3A_173 = vector.broadcast %broadcast_in_dim3A_172 : i32 to vector<16xi32>
      %select_n3A_174 = arith.select %gt3A_170, %broadcast_in_dim3A_173, %select_n3A_156 : vector<16xi1>, vector<16xi32>
      %select_n3A_175 = arith.select %gt3A_169, %select_n3A_157, %select_n3A_174 : vector<16xi1>, vector<16xi32>
      %select_n3A_176 = arith.select %gt3A_169, %broadcast_in_dim3A_173, %select_n3A_157 : vector<16xi1>, vector<16xi32>
      %or3A_177 = arith.ori %gt3A_169, %gt3A_170 : vector<16xi1>
      %select_n3A_178 = arith.select %gt3A_171, %get3A_168, %select_n3A_160 : vector<16xi1>, vector<16xf32>
      %select_n3A_179 = arith.select %or3A_177, %select_n3A_162, %select_n3A_178 : vector<16xi1>, vector<16xf32>
      %select_n3A_180 = arith.select %gt3A_170, %get3A_168, %select_n3A_162 : vector<16xi1>, vector<16xf32>
      %select_n3A_181 = arith.select %gt3A_169, %select_n3A_163, %select_n3A_180 : vector<16xi1>, vector<16xf32>
      %select_n3A_182 = arith.select %gt3A_169, %get3A_168, %select_n3A_163 : vector<16xi1>, vector<16xf32>
      %get3A_183 = arith.constant 9 : i32
      %get3A_184 = arith.index_cast %get3A_183 : i32 to index
      %get3A_185 = arith.index_cast %mul3A_10 : i32 to index
      %get3A_186 = tpu.vector_load %arg9[%get3A_184, %get3A_185] {strides = array<i32>} : memref<64x512xf32, #tpu.memory_space<vmem>>, vector<1x16xf32>,
      %get3A_187 = vector.shape_cast %get3A_186 : vector<1x16xf32> to vector<16xf32>
      %gt3A_188 = arith.cmpf ogt, %get3A_187, %select_n3A_182 : vector<16xf32>
      %gt3A_189 = arith.cmpf ogt, %get3A_187, %select_n3A_181 : vector<16xf32>
      %gt3A_190 = arith.cmpf ogt, %get3A_187, %select_n3A_179 : vector<16xf32>
      %broadcast_in_dim3A_191 = arith.constant 9 : i32
      %broadcast_in_dim3A_192 = vector.broadcast %broadcast_in_dim3A_191 : i32 to vector<16xi32>
      %select_n3A_193 = arith.select %gt3A_189, %broadcast_in_dim3A_192, %select_n3A_175 : vector<16xi1>, vector<16xi32>
      %select_n3A_194 = arith.select %gt3A_188, %select_n3A_176, %select_n3A_193 : vector<16xi1>, vector<16xi32>
      %select_n3A_195 = arith.select %gt3A_188, %broadcast_in_dim3A_192, %select_n3A_176 : vector<16xi1>, vector<16xi32>
      %or3A_196 = arith.ori %gt3A_188, %gt3A_189 : vector<16xi1>
      %select_n3A_197 = arith.select %gt3A_190, %get3A_187, %select_n3A_179 : vector<16xi1>, vector<16xf32>
      %select_n3A_198 = arith.select %or3A_196, %select_n3A_181, %select_n3A_197 : vector<16xi1>, vector<16xf32>
      %select_n3A_199 = arith.select %gt3A_189, %get3A_187, %select_n3A_181 : vector<16xi1>, vector<16xf32>
      %select_n3A_200 = arith.select %gt3A_188, %select_n3A_182, %select_n3A_199 : vector<16xi1>, vector<16xf32>
      %select_n3A_201 = arith.select %gt3A_188, %get3A_187, %select_n3A_182 : vector<16xi1>, vector<16xf32>
      %get3A_202 = arith.constant 10 : i32
      %get3A_203 = arith.index_cast %get3A_202 : i32 to index
      %get3A_204 = arith.index_cast %mul3A_10 : i32 to index
      %get3A_205 = tpu.vector_load %arg9[%get3A_203, %get3A_204] {strides = array<i32>} : memref<64x512xf32, #tpu.memory_space<vmem>>, vector<1x16xf32>,
      %get3A_206 = vector.shape_cast %get3A_205 : vector<1x16xf32> to vector<16xf32>
      %gt3A_207 = arith.cmpf ogt, %get3A_206, %select_n3A_201 : vector<16xf32>
      %gt3A_208 = arith.cmpf ogt, %get3A_206, %select_n3A_200 : vector<16xf32>
      %gt3A_209 = arith.cmpf ogt, %get3A_206, %select_n3A_198 : vector<16xf32>
      %broadcast_in_dim3A_210 = arith.constant 10 : i32
      %broadcast_in_dim3A_211 = vector.broadcast %broadcast_in_dim3A_210 : i32 to vector<16xi32>
      %select_n3A_212 = arith.select %gt3A_208, %broadcast_in_dim3A_211, %select_n3A_194 : vector<16xi1>, vector<16xi32>
      %select_n3A_213 = arith.select %gt3A_207, %select_n3A_195, %select_n3A_212 : vector<16xi1>, vector<16xi32>
      %select_n3A_214 = arith.select %gt3A_207, %broadcast_in_dim3A_211, %select_n3A_195 : vector<16xi1>, vector<16xi32>
      %or3A_215 = arith.ori %gt3A_207, %gt3A_208 : vector<16xi1>
      %select_n3A_216 = arith.select %gt3A_209, %get3A_206, %select_n3A_198 : vector<16xi1>, vector<16xf32>
      %select_n3A_217 = arith.select %or3A_215, %select_n3A_200, %select_n3A_216 : vector<16xi1>, vector<16xf32>
      %select_n3A_218 = arith.select %gt3A_208, %get3A_206, %select_n3A_200 : vector<16xi1>, vector<16xf32>
      %select_n3A_219 = arith.select %gt3A_207, %select_n3A_201, %select_n3A_218 : vector<16xi1>, vector<16xf32>
      %select_n3A_220 = arith.select %gt3A_207, %get3A_206, %select_n3A_201 : vector<16xi1>, vector<16xf32>
      %get3A_221 = arith.constant 11 : i32
      %get3A_222 = arith.index_cast %get3A_221 : i32 to index
      %get3A_223 = arith.index_cast %mul3A_10 : i32 to index
      %get3A_224 = tpu.vector_load %arg9[%get3A_222, %get3A_223] {strides = array<i32>} : memref<64x512xf32, #tpu.memory_space<vmem>>, vector<1x16xf32>,
      %get3A_225 = vector.shape_cast %get3A_224 : vector<1x16xf32> to vector<16xf32>
      %gt3A_226 = arith.cmpf ogt, %get3A_225, %select_n3A_220 : vector<16xf32>
      %gt3A_227 = arith.cmpf ogt, %get3A_225, %select_n3A_219 : vector<16xf32>
      %gt3A_228 = arith.cmpf ogt, %get3A_225, %select_n3A_217 : vector<16xf32>
      %broadcast_in_dim3A_229 = arith.constant 11 : i32
      %broadcast_in_dim3A_230 = vector.broadcast %broadcast_in_dim3A_229 : i32 to vector<16xi32>
      %select_n3A_231 = arith.select %gt3A_227, %broadcast_in_dim3A_230, %select_n3A_213 : vector<16xi1>, vector<16xi32>
      %select_n3A_232 = arith.select %gt3A_226, %select_n3A_214, %select_n3A_231 : vector<16xi1>, vector<16xi32>
      %select_n3A_233 = arith.select %gt3A_226, %broadcast_in_dim3A_230, %select_n3A_214 : vector<16xi1>, vector<16xi32>
      %or3A_234 = arith.ori %gt3A_226, %gt3A_227 : vector<16xi1>
      %select_n3A_235 = arith.select %gt3A_228, %get3A_225, %select_n3A_217 : vector<16xi1>, vector<16xf32>
      %select_n3A_236 = arith.select %or3A_234, %select_n3A_219, %select_n3A_235 : vector<16xi1>, vector<16xf32>
      %select_n3A_237 = arith.select %gt3A_227, %get3A_225, %select_n3A_219 : vector<16xi1>, vector<16xf32>
      %select_n3A_238 = arith.select %gt3A_226, %select_n3A_220, %select_n3A_237 : vector<16xi1>, vector<16xf32>
      %select_n3A_239 = arith.select %gt3A_226, %get3A_225, %select_n3A_220 : vector<16xi1>, vector<16xf32>
      %get3A_240 = arith.constant 12 : i32
      %get3A_241 = arith.index_cast %get3A_240 : i32 to index
      %get3A_242 = arith.index_cast %mul3A_10 : i32 to index
      %get3A_243 = tpu.vector_load %arg9[%get3A_241, %get3A_242] {strides = array<i32>} : memref<64x512xf32, #tpu.memory_space<vmem>>, vector<1x16xf32>,
      %get3A_244 = vector.shape_cast %get3A_243 : vector<1x16xf32> to vector<16xf32>
      %gt3A_245 = arith.cmpf ogt, %get3A_244, %select_n3A_239 : vector<16xf32>
      %gt3A_246 = arith.cmpf ogt, %get3A_244, %select_n3A_238 : vector<16xf32>
      %gt3A_247 = arith.cmpf ogt, %get3A_244, %select_n3A_236 : vector<16xf32>
      %broadcast_in_dim3A_248 = arith.constant 12 : i32
      %broadcast_in_dim3A_249 = vector.broadcast %broadcast_in_dim3A_248 : i32 to vector<16xi32>
      %select_n3A_250 = arith.select %gt3A_246, %broadcast_in_dim3A_249, %select_n3A_232 : vector<16xi1>, vector<16xi32>
      %select_n3A_251 = arith.select %gt3A_245, %select_n3A_233, %select_n3A_250 : vector<16xi1>, vector<16xi32>
      %select_n3A_252 = arith.select %gt3A_245, %broadcast_in_dim3A_249, %select_n3A_233 : vector<16xi1>, vector<16xi32>
      %or3A_253 = arith.ori %gt3A_245, %gt3A_246 : vector<16xi1>
      %select_n3A_254 = arith.select %gt3A_247, %get3A_244, %select_n3A_236 : vector<16xi1>, vector<16xf32>
      %select_n3A_255 = arith.select %or3A_253, %select_n3A_238, %select_n3A_254 : vector<16xi1>, vector<16xf32>
      %select_n3A_256 = arith.select %gt3A_246, %get3A_244, %select_n3A_238 : vector<16xi1>, vector<16xf32>
      %select_n3A_257 = arith.select %gt3A_245, %select_n3A_239, %select_n3A_256 : vector<16xi1>, vector<16xf32>
      %select_n3A_258 = arith.select %gt3A_245, %get3A_244, %select_n3A_239 : vector<16xi1>, vector<16xf32>
      %get3A_259 = arith.constant 13 : i32
      %get3A_260 = arith.index_cast %get3A_259 : i32 to index
      %get3A_261 = arith.index_cast %mul3A_10 : i32 to index
      %get3A_262 = tpu.vector_load %arg9[%get3A_260, %get3A_261] {strides = array<i32>} : memref<64x512xf32, #tpu.memory_space<vmem>>, vector<1x16xf32>,
      %get3A_263 = vector.shape_cast %get3A_262 : vector<1x16xf32> to vector<16xf32>
      %gt3A_264 = arith.cmpf ogt, %get3A_263, %select_n3A_258 : vector<16xf32>
      %gt3A_265 = arith.cmpf ogt, %get3A_263, %select_n3A_257 : vector<16xf32>
      %gt3A_266 = arith.cmpf ogt, %get3A_263, %select_n3A_255 : vector<16xf32>
      %broadcast_in_dim3A_267 = arith.constant 13 : i32
      %broadcast_in_dim3A_268 = vector.broadcast %broadcast_in_dim3A_267 : i32 to vector<16xi32>
      %select_n3A_269 = arith.select %gt3A_265, %broadcast_in_dim3A_268, %select_n3A_251 : vector<16xi1>, vector<16xi32>
      %select_n3A_270 = arith.select %gt3A_264, %select_n3A_252, %select_n3A_269 : vector<16xi1>, vector<16xi32>
      %select_n3A_271 = arith.select %gt3A_264, %broadcast_in_dim3A_268, %select_n3A_252 : vector<16xi1>, vector<16xi32>
      %or3A_272 = arith.ori %gt3A_264, %gt3A_265 : vector<16xi1>
      %select_n3A_273 = arith.select %gt3A_266, %get3A_263, %select_n3A_255 : vector<16xi1>, vector<16xf32>
      %select_n3A_274 = arith.select %or3A_272, %select_n3A_257, %select_n3A_273 : vector<16xi1>, vector<16xf32>
      %select_n3A_275 = arith.select %gt3A_265, %get3A_263, %select_n3A_257 : vector<16xi1>, vector<16xf32>
      %select_n3A_276 = arith.select %gt3A_264, %select_n3A_258, %select_n3A_275 : vector<16xi1>, vector<16xf32>
      %select_n3A_277 = arith.select %gt3A_264, %get3A_263, %select_n3A_258 : vector<16xi1>, vector<16xf32>
      %get3A_278 = arith.constant 14 : i32
      %get3A_279 = arith.index_cast %get3A_278 : i32 to index
      %get3A_280 = arith.index_cast %mul3A_10 : i32 to index
      %get3A_281 = tpu.vector_load %arg9[%get3A_279, %get3A_280] {strides = array<i32>} : memref<64x512xf32, #tpu.memory_space<vmem>>, vector<1x16xf32>,
      %get3A_282 = vector.shape_cast %get3A_281 : vector<1x16xf32> to vector<16xf32>
      %gt3A_283 = arith.cmpf ogt, %get3A_282, %select_n3A_277 : vector<16xf32>
      %gt3A_284 = arith.cmpf ogt, %get3A_282, %select_n3A_276 : vector<16xf32>
      %gt3A_285 = arith.cmpf ogt, %get3A_282, %select_n3A_274 : vector<16xf32>
      %broadcast_in_dim3A_286 = arith.constant 14 : i32
      %broadcast_in_dim3A_287 = vector.broadcast %broadcast_in_dim3A_286 : i32 to vector<16xi32>
      %select_n3A_288 = arith.select %gt3A_284, %broadcast_in_dim3A_287, %select_n3A_270 : vector<16xi1>, vector<16xi32>
      %select_n3A_289 = arith.select %gt3A_283, %select_n3A_271, %select_n3A_288 : vector<16xi1>, vector<16xi32>
      %select_n3A_290 = arith.select %gt3A_283, %broadcast_in_dim3A_287, %select_n3A_271 : vector<16xi1>, vector<16xi32>
      %or3A_291 = arith.ori %gt3A_283, %gt3A_284 : vector<16xi1>
      %select_n3A_292 = arith.select %gt3A_285, %get3A_282, %select_n3A_274 : vector<16xi1>, vector<16xf32>
      %select_n3A_293 = arith.select %or3A_291, %select_n3A_276, %select_n3A_292 : vector<16xi1>, vector<16xf32>
      %select_n3A_294 = arith.select %gt3A_284, %get3A_282, %select_n3A_276 : vector<16xi1>, vector<16xf32>
      %select_n3A_295 = arith.select %gt3A_283, %select_n3A_277, %select_n3A_294 : vector<16xi1>, vector<16xf32>
      %select_n3A_296 = arith.select %gt3A_283, %get3A_282, %select_n3A_277 : vector<16xi1>, vector<16xf32>
      %get3A_297 = arith.constant 15 : i32
      %get3A_298 = arith.index_cast %get3A_297 : i32 to index
      %get3A_299 = arith.index_cast %mul3A_10 : i32 to index
      %get3A_300 = tpu.vector_load %arg9[%get3A_298, %get3A_299] {strides = array<i32>} : memref<64x512xf32, #tpu.memory_space<vmem>>, vector<1x16xf32>,
      %get3A_301 = vector.shape_cast %get3A_300 : vector<1x16xf32> to vector<16xf32>
      %gt3A_302 = arith.cmpf ogt, %get3A_301, %select_n3A_296 : vector<16xf32>
      %gt3A_303 = arith.cmpf ogt, %get3A_301, %select_n3A_295 : vector<16xf32>
      %gt3A_304 = arith.cmpf ogt, %get3A_301, %select_n3A_293 : vector<16xf32>
      %broadcast_in_dim3A_305 = arith.constant 15 : i32
      %broadcast_in_dim3A_306 = vector.broadcast %broadcast_in_dim3A_305 : i32 to vector<16xi32>
      %select_n3A_307 = arith.select %gt3A_303, %broadcast_in_dim3A_306, %select_n3A_289 : vector<16xi1>, vector<16xi32>
      %select_n3A_308 = arith.select %gt3A_302, %select_n3A_290, %select_n3A_307 : vector<16xi1>, vector<16xi32>
      %select_n3A_309 = arith.select %gt3A_302, %broadcast_in_dim3A_306, %select_n3A_290 : vector<16xi1>, vector<16xi32>
      %or3A_310 = arith.ori %gt3A_302, %gt3A_303 : vector<16xi1>
      %select_n3A_311 = arith.select %gt3A_304, %get3A_301, %select_n3A_293 : vector<16xi1>, vector<16xf32>
      %select_n3A_312 = arith.select %or3A_310, %select_n3A_295, %select_n3A_311 : vector<16xi1>, vector<16xf32>
      %select_n3A_313 = arith.select %gt3A_303, %get3A_301, %select_n3A_295 : vector<16xi1>, vector<16xf32>
      %select_n3A_314 = arith.select %gt3A_302, %select_n3A_296, %select_n3A_313 : vector<16xi1>, vector<16xf32>
      %select_n3A_315 = arith.select %gt3A_302, %get3A_301, %select_n3A_296 : vector<16xi1>, vector<16xf32>
      %get3A_316 = arith.constant 16 : i32
      %get3A_317 = arith.index_cast %get3A_316 : i32 to index
      %get3A_318 = arith.index_cast %mul3A_10 : i32 to index
      %get3A_319 = tpu.vector_load %arg9[%get3A_317, %get3A_318] {strides = array<i32>} : memref<64x512xf32, #tpu.memory_space<vmem>>, vector<1x16xf32>,
      %get3A_320 = vector.shape_cast %get3A_319 : vector<1x16xf32> to vector<16xf32>
      %gt3A_321 = arith.cmpf ogt, %get3A_320, %select_n3A_315 : vector<16xf32>
      %gt3A_322 = arith.cmpf ogt, %get3A_320, %select_n3A_314 : vector<16xf32>
      %gt3A_323 = arith.cmpf ogt, %get3A_320, %select_n3A_312 : vector<16xf32>
      %broadcast_in_dim3A_324 = arith.constant 16 : i32
      %broadcast_in_dim3A_325 = vector.broadcast %broadcast_in_dim3A_324 : i32 to vector<16xi32>
      %select_n3A_326 = arith.select %gt3A_322, %broadcast_in_dim3A_325, %select_n3A_308 : vector<16xi1>, vector<16xi32>
      %select_n3A_327 = arith.select %gt3A_321, %select_n3A_309, %select_n3A_326 : vector<16xi1>, vector<16xi32>
      %select_n3A_328 = arith.select %gt3A_321, %broadcast_in_dim3A_325, %select_n3A_309 : vector<16xi1>, vector<16xi32>
      %or3A_329 = arith.ori %gt3A_321, %gt3A_322 : vector<16xi1>
      %select_n3A_330 = arith.select %gt3A_323, %get3A_320, %select_n3A_312 : vector<16xi1>, vector<16xf32>
      %select_n3A_331 = arith.select %or3A_329, %select_n3A_314, %select_n3A_330 : vector<16xi1>, vector<16xf32>
      %select_n3A_332 = arith.select %gt3A_322, %get3A_320, %select_n3A_314 : vector<16xi1>, vector<16xf32>
      %select_n3A_333 = arith.select %gt3A_321, %select_n3A_315, %select_n3A_332 : vector<16xi1>, vector<16xf32>
      %select_n3A_334 = arith.select %gt3A_321, %get3A_320, %select_n3A_315 : vector<16xi1>, vector<16xf32>
      %get3A_335 = arith.constant 17 : i32
      %get3A_336 = arith.index_cast %get3A_335 : i32 to index
      %get3A_337 = arith.index_cast %mul3A_10 : i32 to index
      %get3A_338 = tpu.vector_load %arg9[%get3A_336, %get3A_337] {strides = array<i32>} : memref<64x512xf32, #tpu.memory_space<vmem>>, vector<1x16xf32>,
      %get3A_339 = vector.shape_cast %get3A_338 : vector<1x16xf32> to vector<16xf32>
      %gt3A_340 = arith.cmpf ogt, %get3A_339, %select_n3A_334 : vector<16xf32>
      %gt3A_341 = arith.cmpf ogt, %get3A_339, %select_n3A_333 : vector<16xf32>
      %gt3A_342 = arith.cmpf ogt, %get3A_339, %select_n3A_331 : vector<16xf32>
      %broadcast_in_dim3A_343 = arith.constant 17 : i32
      %broadcast_in_dim3A_344 = vector.broadcast %broadcast_in_dim3A_343 : i32 to vector<16xi32>
      %select_n3A_345 = arith.select %gt3A_341, %broadcast_in_dim3A_344, %select_n3A_327 : vector<16xi1>, vector<16xi32>
      %select_n3A_346 = arith.select %gt3A_340, %select_n3A_328, %select_n3A_345 : vector<16xi1>, vector<16xi32>
      %select_n3A_347 = arith.select %gt3A_340, %broadcast_in_dim3A_344, %select_n3A_328 : vector<16xi1>, vector<16xi32>
      %or3A_348 = arith.ori %gt3A_340, %gt3A_341 : vector<16xi1>
      %select_n3A_349 = arith.select %gt3A_342, %get3A_339, %select_n3A_331 : vector<16xi1>, vector<16xf32>
      %select_n3A_350 = arith.select %or3A_348, %select_n3A_333, %select_n3A_349 : vector<16xi1>, vector<16xf32>
      %select_n3A_351 = arith.select %gt3A_341, %get3A_339, %select_n3A_333 : vector<16xi1>, vector<16xf32>
      %select_n3A_352 = arith.select %gt3A_340, %select_n3A_334, %select_n3A_351 : vector<16xi1>, vector<16xf32>
      %select_n3A_353 = arith.select %gt3A_340, %get3A_339, %select_n3A_334 : vector<16xi1>, vector<16xf32>
      %get3A_354 = arith.constant 18 : i32
      %get3A_355 = arith.index_cast %get3A_354 : i32 to index
      %get3A_356 = arith.index_cast %mul3A_10 : i32 to index
      %get3A_357 = tpu.vector_load %arg9[%get3A_355, %get3A_356] {strides = array<i32>} : memref<64x512xf32, #tpu.memory_space<vmem>>, vector<1x16xf32>,
      %get3A_358 = vector.shape_cast %get3A_357 : vector<1x16xf32> to vector<16xf32>
      %gt3A_359 = arith.cmpf ogt, %get3A_358, %select_n3A_353 : vector<16xf32>
      %gt3A_360 = arith.cmpf ogt, %get3A_358, %select_n3A_352 : vector<16xf32>
      %gt3A_361 = arith.cmpf ogt, %get3A_358, %select_n3A_350 : vector<16xf32>
      %broadcast_in_dim3A_362 = arith.constant 18 : i32
      %broadcast_in_dim3A_363 = vector.broadcast %broadcast_in_dim3A_362 : i32 to vector<16xi32>
      %select_n3A_364 = arith.select %gt3A_360, %broadcast_in_dim3A_363, %select_n3A_346 : vector<16xi1>, vector<16xi32>
      %select_n3A_365 = arith.select %gt3A_359, %select_n3A_347, %select_n3A_364 : vector<16xi1>, vector<16xi32>
      %select_n3A_366 = arith.select %gt3A_359, %broadcast_in_dim3A_363, %select_n3A_347 : vector<16xi1>, vector<16xi32>
      %or3A_367 = arith.ori %gt3A_359, %gt3A_360 : vector<16xi1>
      %select_n3A_368 = arith.select %gt3A_361, %get3A_358, %select_n3A_350 : vector<16xi1>, vector<16xf32>
      %select_n3A_369 = arith.select %or3A_367, %select_n3A_352, %select_n3A_368 : vector<16xi1>, vector<16xf32>
      %select_n3A_370 = arith.select %gt3A_360, %get3A_358, %select_n3A_352 : vector<16xi1>, vector<16xf32>
      %select_n3A_371 = arith.select %gt3A_359, %select_n3A_353, %select_n3A_370 : vector<16xi1>, vector<16xf32>
      %select_n3A_372 = arith.select %gt3A_359, %get3A_358, %select_n3A_353 : vector<16xi1>, vector<16xf32>
      %get3A_373 = arith.constant 19 : i32
      %get3A_374 = arith.index_cast %get3A_373 : i32 to index
      %get3A_375 = arith.index_cast %mul3A_10 : i32 to index
      %get3A_376 = tpu.vector_load %arg9[%get3A_374, %get3A_375] {strides = array<i32>} : memref<64x512xf32, #tpu.memory_space<vmem>>, vector<1x16xf32>,
      %get3A_377 = vector.shape_cast %get3A_376 : vector<1x16xf32> to vector<16xf32>
      %gt3A_378 = arith.cmpf ogt, %get3A_377, %select_n3A_372 : vector<16xf32>
      %gt3A_379 = arith.cmpf ogt, %get3A_377, %select_n3A_371 : vector<16xf32>
      %gt3A_380 = arith.cmpf ogt, %get3A_377, %select_n3A_369 : vector<16xf32>
      %broadcast_in_dim3A_381 = arith.constant 19 : i32
      %broadcast_in_dim3A_382 = vector.broadcast %broadcast_in_dim3A_381 : i32 to vector<16xi32>
      %select_n3A_383 = arith.select %gt3A_379, %broadcast_in_dim3A_382, %select_n3A_365 : vector<16xi1>, vector<16xi32>
      %select_n3A_384 = arith.select %gt3A_378, %select_n3A_366, %select_n3A_383 : vector<16xi1>, vector<16xi32>
      %select_n3A_385 = arith.select %gt3A_378, %broadcast_in_dim3A_382, %select_n3A_366 : vector<16xi1>, vector<16xi32>
      %or3A_386 = arith.ori %gt3A_378, %gt3A_379 : vector<16xi1>
      %select_n3A_387 = arith.select %gt3A_380, %get3A_377, %select_n3A_369 : vector<16xi1>, vector<16xf32>
      %select_n3A_388 = arith.select %or3A_386, %select_n3A_371, %select_n3A_387 : vector<16xi1>, vector<16xf32>
      %select_n3A_389 = arith.select %gt3A_379, %get3A_377, %select_n3A_371 : vector<16xi1>, vector<16xf32>
      %select_n3A_390 = arith.select %gt3A_378, %select_n3A_372, %select_n3A_389 : vector<16xi1>, vector<16xf32>
      %select_n3A_391 = arith.select %gt3A_378, %get3A_377, %select_n3A_372 : vector<16xi1>, vector<16xf32>
      %get3A_392 = arith.constant 20 : i32
      %get3A_393 = arith.index_cast %get3A_392 : i32 to index
      %get3A_394 = arith.index_cast %mul3A_10 : i32 to index
      %get3A_395 = tpu.vector_load %arg9[%get3A_393, %get3A_394] {strides = array<i32>} : memref<64x512xf32, #tpu.memory_space<vmem>>, vector<1x16xf32>,
      %get3A_396 = vector.shape_cast %get3A_395 : vector<1x16xf32> to vector<16xf32>
      %gt3A_397 = arith.cmpf ogt, %get3A_396, %select_n3A_391 : vector<16xf32>
      %gt3A_398 = arith.cmpf ogt, %get3A_396, %select_n3A_390 : vector<16xf32>
      %gt3A_399 = arith.cmpf ogt, %get3A_396, %select_n3A_388 : vector<16xf32>
      %broadcast_in_dim3A_400 = arith.constant 20 : i32
      %broadcast_in_dim3A_401 = vector.broadcast %broadcast_in_dim3A_400 : i32 to vector<16xi32>
      %select_n3A_402 = arith.select %gt3A_398, %broadcast_in_dim3A_401, %select_n3A_384 : vector<16xi1>, vector<16xi32>
      %select_n3A_403 = arith.select %gt3A_397, %select_n3A_385, %select_n3A_402 : vector<16xi1>, vector<16xi32>
      %select_n3A_404 = arith.select %gt3A_397, %broadcast_in_dim3A_401, %select_n3A_385 : vector<16xi1>, vector<16xi32>
      %or3A_405 = arith.ori %gt3A_397, %gt3A_398 : vector<16xi1>
      %select_n3A_406 = arith.select %gt3A_399, %get3A_396, %select_n3A_388 : vector<16xi1>, vector<16xf32>
      %select_n3A_407 = arith.select %or3A_405, %select_n3A_390, %select_n3A_406 : vector<16xi1>, vector<16xf32>
      %select_n3A_408 = arith.select %gt3A_398, %get3A_396, %select_n3A_390 : vector<16xi1>, vector<16xf32>
      %select_n3A_409 = arith.select %gt3A_397, %select_n3A_391, %select_n3A_408 : vector<16xi1>, vector<16xf32>
      %select_n3A_410 = arith.select %gt3A_397, %get3A_396, %select_n3A_391 : vector<16xi1>, vector<16xf32>
      %get3A_411 = arith.constant 21 : i32
      %get3A_412 = arith.index_cast %get3A_411 : i32 to index
      %get3A_413 = arith.index_cast %mul3A_10 : i32 to index
      %get3A_414 = tpu.vector_load %arg9[%get3A_412, %get3A_413] {strides = array<i32>} : memref<64x512xf32, #tpu.memory_space<vmem>>, vector<1x16xf32>,
      %get3A_415 = vector.shape_cast %get3A_414 : vector<1x16xf32> to vector<16xf32>
      %gt3A_416 = arith.cmpf ogt, %get3A_415, %select_n3A_410 : vector<16xf32>
      %gt3A_417 = arith.cmpf ogt, %get3A_415, %select_n3A_409 : vector<16xf32>
      %gt3A_418 = arith.cmpf ogt, %get3A_415, %select_n3A_407 : vector<16xf32>
      %broadcast_in_dim3A_419 = arith.constant 21 : i32
      %broadcast_in_dim3A_420 = vector.broadcast %broadcast_in_dim3A_419 : i32 to vector<16xi32>
      %select_n3A_421 = arith.select %gt3A_417, %broadcast_in_dim3A_420, %select_n3A_403 : vector<16xi1>, vector<16xi32>
      %select_n3A_422 = arith.select %gt3A_416, %select_n3A_404, %select_n3A_421 : vector<16xi1>, vector<16xi32>
      %select_n3A_423 = arith.select %gt3A_416, %broadcast_in_dim3A_420, %select_n3A_404 : vector<16xi1>, vector<16xi32>
      %or3A_424 = arith.ori %gt3A_416, %gt3A_417 : vector<16xi1>
      %select_n3A_425 = arith.select %gt3A_418, %get3A_415, %select_n3A_407 : vector<16xi1>, vector<16xf32>
      %select_n3A_426 = arith.select %or3A_424, %select_n3A_409, %select_n3A_425 : vector<16xi1>, vector<16xf32>
      %select_n3A_427 = arith.select %gt3A_417, %get3A_415, %select_n3A_409 : vector<16xi1>, vector<16xf32>
      %select_n3A_428 = arith.select %gt3A_416, %select_n3A_410, %select_n3A_427 : vector<16xi1>, vector<16xf32>
      %select_n3A_429 = arith.select %gt3A_416, %get3A_415, %select_n3A_410 : vector<16xi1>, vector<16xf32>
      %get3A_430 = arith.constant 22 : i32
      %get3A_431 = arith.index_cast %get3A_430 : i32 to index
      %get3A_432 = arith.index_cast %mul3A_10 : i32 to index
      %get3A_433 = tpu.vector_load %arg9[%get3A_431, %get3A_432] {strides = array<i32>} : memref<64x512xf32, #tpu.memory_space<vmem>>, vector<1x16xf32>,
      %get3A_434 = vector.shape_cast %get3A_433 : vector<1x16xf32> to vector<16xf32>
      %gt3A_435 = arith.cmpf ogt, %get3A_434, %select_n3A_429 : vector<16xf32>
      %gt3A_436 = arith.cmpf ogt, %get3A_434, %select_n3A_428 : vector<16xf32>
      %gt3A_437 = arith.cmpf ogt, %get3A_434, %select_n3A_426 : vector<16xf32>
      %broadcast_in_dim3A_438 = arith.constant 22 : i32
      %broadcast_in_dim3A_439 = vector.broadcast %broadcast_in_dim3A_438 : i32 to vector<16xi32>
      %select_n3A_440 = arith.select %gt3A_436, %broadcast_in_dim3A_439, %select_n3A_422 : vector<16xi1>, vector<16xi32>
      %select_n3A_441 = arith.select %gt3A_435, %select_n3A_423, %select_n3A_440 : vector<16xi1>, vector<16xi32>
      %select_n3A_442 = arith.select %gt3A_435, %broadcast_in_dim3A_439, %select_n3A_423 : vector<16xi1>, vector<16xi32>
      %or3A_443 = arith.ori %gt3A_435, %gt3A_436 : vector<16xi1>
      %select_n3A_444 = arith.select %gt3A_437, %get3A_434, %select_n3A_426 : vector<16xi1>, vector<16xf32>
      %select_n3A_445 = arith.select %or3A_443, %select_n3A_428, %select_n3A_444 : vector<16xi1>, vector<16xf32>
      %select_n3A_446 = arith.select %gt3A_436, %get3A_434, %select_n3A_428 : vector<16xi1>, vector<16xf32>
      %select_n3A_447 = arith.select %gt3A_435, %select_n3A_429, %select_n3A_446 : vector<16xi1>, vector<16xf32>
      %select_n3A_448 = arith.select %gt3A_435, %get3A_434, %select_n3A_429 : vector<16xi1>, vector<16xf32>
      %get3A_449 = arith.constant 23 : i32
      %get3A_450 = arith.index_cast %get3A_449 : i32 to index
      %get3A_451 = arith.index_cast %mul3A_10 : i32 to index
      %get3A_452 = tpu.vector_load %arg9[%get3A_450, %get3A_451] {strides = array<i32>} : memref<64x512xf32, #tpu.memory_space<vmem>>, vector<1x16xf32>,
      %get3A_453 = vector.shape_cast %get3A_452 : vector<1x16xf32> to vector<16xf32>
      %gt3A_454 = arith.cmpf ogt, %get3A_453, %select_n3A_448 : vector<16xf32>
      %gt3A_455 = arith.cmpf ogt, %get3A_453, %select_n3A_447 : vector<16xf32>
      %gt3A_456 = arith.cmpf ogt, %get3A_453, %select_n3A_445 : vector<16xf32>
      %broadcast_in_dim3A_457 = arith.constant 23 : i32
      %broadcast_in_dim3A_458 = vector.broadcast %broadcast_in_dim3A_457 : i32 to vector<16xi32>
      %select_n3A_459 = arith.select %gt3A_455, %broadcast_in_dim3A_458, %select_n3A_441 : vector<16xi1>, vector<16xi32>
      %select_n3A_460 = arith.select %gt3A_454, %select_n3A_442, %select_n3A_459 : vector<16xi1>, vector<16xi32>
      %select_n3A_461 = arith.select %gt3A_454, %broadcast_in_dim3A_458, %select_n3A_442 : vector<16xi1>, vector<16xi32>
      %or3A_462 = arith.ori %gt3A_454, %gt3A_455 : vector<16xi1>
      %select_n3A_463 = arith.select %gt3A_456, %get3A_453, %select_n3A_445 : vector<16xi1>, vector<16xf32>
      %select_n3A_464 = arith.select %or3A_462, %select_n3A_447, %select_n3A_463 : vector<16xi1>, vector<16xf32>
      %select_n3A_465 = arith.select %gt3A_455, %get3A_453, %select_n3A_447 : vector<16xi1>, vector<16xf32>
      %select_n3A_466 = arith.select %gt3A_454, %select_n3A_448, %select_n3A_465 : vector<16xi1>, vector<16xf32>
      %select_n3A_467 = arith.select %gt3A_454, %get3A_453, %select_n3A_448 : vector<16xi1>, vector<16xf32>
      %get3A_468 = arith.constant 24 : i32
      %get3A_469 = arith.index_cast %get3A_468 : i32 to index
      %get3A_470 = arith.index_cast %mul3A_10 : i32 to index
      %get3A_471 = tpu.vector_load %arg9[%get3A_469, %get3A_470] {strides = array<i32>} : memref<64x512xf32, #tpu.memory_space<vmem>>, vector<1x16xf32>,
      %get3A_472 = vector.shape_cast %get3A_471 : vector<1x16xf32> to vector<16xf32>
      %gt3A_473 = arith.cmpf ogt, %get3A_472, %select_n3A_467 : vector<16xf32>
      %gt3A_474 = arith.cmpf ogt, %get3A_472, %select_n3A_466 : vector<16xf32>
      %gt3A_475 = arith.cmpf ogt, %get3A_472, %select_n3A_464 : vector<16xf32>
      %broadcast_in_dim3A_476 = arith.constant 24 : i32
      %broadcast_in_dim3A_477 = vector.broadcast %broadcast_in_dim3A_476 : i32 to vector<16xi32>
      %select_n3A_478 = arith.select %gt3A_474, %broadcast_in_dim3A_477, %select_n3A_460 : vector<16xi1>, vector<16xi32>
      %select_n3A_479 = arith.select %gt3A_473, %select_n3A_461, %select_n3A_478 : vector<16xi1>, vector<16xi32>
      %select_n3A_480 = arith.select %gt3A_473, %broadcast_in_dim3A_477, %select_n3A_461 : vector<16xi1>, vector<16xi32>
      %or3A_481 = arith.ori %gt3A_473, %gt3A_474 : vector<16xi1>
      %select_n3A_482 = arith.select %gt3A_475, %get3A_472, %select_n3A_464 : vector<16xi1>, vector<16xf32>
      %select_n3A_483 = arith.select %or3A_481, %select_n3A_466, %select_n3A_482 : vector<16xi1>, vector<16xf32>
      %select_n3A_484 = arith.select %gt3A_474, %get3A_472, %select_n3A_466 : vector<16xi1>, vector<16xf32>
      %select_n3A_485 = arith.select %gt3A_473, %select_n3A_467, %select_n3A_484 : vector<16xi1>, vector<16xf32>
      %select_n3A_486 = arith.select %gt3A_473, %get3A_472, %select_n3A_467 : vector<16xi1>, vector<16xf32>
      %get3A_487 = arith.constant 25 : i32
      %get3A_488 = arith.index_cast %get3A_487 : i32 to index
      %get3A_489 = arith.index_cast %mul3A_10 : i32 to index
      %get3A_490 = tpu.vector_load %arg9[%get3A_488, %get3A_489] {strides = array<i32>} : memref<64x512xf32, #tpu.memory_space<vmem>>, vector<1x16xf32>,
      %get3A_491 = vector.shape_cast %get3A_490 : vector<1x16xf32> to vector<16xf32>
      %gt3A_492 = arith.cmpf ogt, %get3A_491, %select_n3A_486 : vector<16xf32>
      %gt3A_493 = arith.cmpf ogt, %get3A_491, %select_n3A_485 : vector<16xf32>
      %gt3A_494 = arith.cmpf ogt, %get3A_491, %select_n3A_483 : vector<16xf32>
      %broadcast_in_dim3A_495 = arith.constant 25 : i32
      %broadcast_in_dim3A_496 = vector.broadcast %broadcast_in_dim3A_495 : i32 to vector<16xi32>
      %select_n3A_497 = arith.select %gt3A_493, %broadcast_in_dim3A_496, %select_n3A_479 : vector<16xi1>, vector<16xi32>
      %select_n3A_498 = arith.select %gt3A_492, %select_n3A_480, %select_n3A_497 : vector<16xi1>, vector<16xi32>
      %select_n3A_499 = arith.select %gt3A_492, %broadcast_in_dim3A_496, %select_n3A_480 : vector<16xi1>, vector<16xi32>
      %or3A_500 = arith.ori %gt3A_492, %gt3A_493 : vector<16xi1>
      %select_n3A_501 = arith.select %gt3A_494, %get3A_491, %select_n3A_483 : vector<16xi1>, vector<16xf32>
      %select_n3A_502 = arith.select %or3A_500, %select_n3A_485, %select_n3A_501 : vector<16xi1>, vector<16xf32>
      %select_n3A_503 = arith.select %gt3A_493, %get3A_491, %select_n3A_485 : vector<16xi1>, vector<16xf32>
      %select_n3A_504 = arith.select %gt3A_492, %select_n3A_486, %select_n3A_503 : vector<16xi1>, vector<16xf32>
      %select_n3A_505 = arith.select %gt3A_492, %get3A_491, %select_n3A_486 : vector<16xi1>, vector<16xf32>
      %get3A_506 = arith.constant 26 : i32
      %get3A_507 = arith.index_cast %get3A_506 : i32 to index
      %get3A_508 = arith.index_cast %mul3A_10 : i32 to index
      %get3A_509 = tpu.vector_load %arg9[%get3A_507, %get3A_508] {strides = array<i32>} : memref<64x512xf32, #tpu.memory_space<vmem>>, vector<1x16xf32>,
      %get3A_510 = vector.shape_cast %get3A_509 : vector<1x16xf32> to vector<16xf32>
      %gt3A_511 = arith.cmpf ogt, %get3A_510, %select_n3A_505 : vector<16xf32>
      %gt3A_512 = arith.cmpf ogt, %get3A_510, %select_n3A_504 : vector<16xf32>
      %gt3A_513 = arith.cmpf ogt, %get3A_510, %select_n3A_502 : vector<16xf32>
      %broadcast_in_dim3A_514 = arith.constant 26 : i32
      %broadcast_in_dim3A_515 = vector.broadcast %broadcast_in_dim3A_514 : i32 to vector<16xi32>
      %select_n3A_516 = arith.select %gt3A_512, %broadcast_in_dim3A_515, %select_n3A_498 : vector<16xi1>, vector<16xi32>
      %select_n3A_517 = arith.select %gt3A_511, %select_n3A_499, %select_n3A_516 : vector<16xi1>, vector<16xi32>
      %select_n3A_518 = arith.select %gt3A_511, %broadcast_in_dim3A_515, %select_n3A_499 : vector<16xi1>, vector<16xi32>
      %or3A_519 = arith.ori %gt3A_511, %gt3A_512 : vector<16xi1>
      %select_n3A_520 = arith.select %gt3A_513, %get3A_510, %select_n3A_502 : vector<16xi1>, vector<16xf32>
      %select_n3A_521 = arith.select %or3A_519, %select_n3A_504, %select_n3A_520 : vector<16xi1>, vector<16xf32>
      %select_n3A_522 = arith.select %gt3A_512, %get3A_510, %select_n3A_504 : vector<16xi1>, vector<16xf32>
      %select_n3A_523 = arith.select %gt3A_511, %select_n3A_505, %select_n3A_522 : vector<16xi1>, vector<16xf32>
      %select_n3A_524 = arith.select %gt3A_511, %get3A_510, %select_n3A_505 : vector<16xi1>, vector<16xf32>
      %get3A_525 = arith.constant 27 : i32
      %get3A_526 = arith.index_cast %get3A_525 : i32 to index
      %get3A_527 = arith.index_cast %mul3A_10 : i32 to index
      %get3A_528 = tpu.vector_load %arg9[%get3A_526, %get3A_527] {strides = array<i32>} : memref<64x512xf32, #tpu.memory_space<vmem>>, vector<1x16xf32>,
      %get3A_529 = vector.shape_cast %get3A_528 : vector<1x16xf32> to vector<16xf32>
      %gt3A_530 = arith.cmpf ogt, %get3A_529, %select_n3A_524 : vector<16xf32>
      %gt3A_531 = arith.cmpf ogt, %get3A_529, %select_n3A_523 : vector<16xf32>
      %gt3A_532 = arith.cmpf ogt, %get3A_529, %select_n3A_521 : vector<16xf32>
      %broadcast_in_dim3A_533 = arith.constant 27 : i32
      %broadcast_in_dim3A_534 = vector.broadcast %broadcast_in_dim3A_533 : i32 to vector<16xi32>
      %select_n3A_535 = arith.select %gt3A_531, %broadcast_in_dim3A_534, %select_n3A_517 : vector<16xi1>, vector<16xi32>
      %select_n3A_536 = arith.select %gt3A_530, %select_n3A_518, %select_n3A_535 : vector<16xi1>, vector<16xi32>
      %select_n3A_537 = arith.select %gt3A_530, %broadcast_in_dim3A_534, %select_n3A_518 : vector<16xi1>, vector<16xi32>
      %or3A_538 = arith.ori %gt3A_530, %gt3A_531 : vector<16xi1>
      %select_n3A_539 = arith.select %gt3A_532, %get3A_529, %select_n3A_521 : vector<16xi1>, vector<16xf32>
      %select_n3A_540 = arith.select %or3A_538, %select_n3A_523, %select_n3A_539 : vector<16xi1>, vector<16xf32>
      %select_n3A_541 = arith.select %gt3A_531, %get3A_529, %select_n3A_523 : vector<16xi1>, vector<16xf32>
      %select_n3A_542 = arith.select %gt3A_530, %select_n3A_524, %select_n3A_541 : vector<16xi1>, vector<16xf32>
      %select_n3A_543 = arith.select %gt3A_530, %get3A_529, %select_n3A_524 : vector<16xi1>, vector<16xf32>
      %get3A_544 = arith.constant 28 : i32
      %get3A_545 = arith.index_cast %get3A_544 : i32 to index
      %get3A_546 = arith.index_cast %mul3A_10 : i32 to index
      %get3A_547 = tpu.vector_load %arg9[%get3A_545, %get3A_546] {strides = array<i32>} : memref<64x512xf32, #tpu.memory_space<vmem>>, vector<1x16xf32>,
      %get3A_548 = vector.shape_cast %get3A_547 : vector<1x16xf32> to vector<16xf32>
      %gt3A_549 = arith.cmpf ogt, %get3A_548, %select_n3A_543 : vector<16xf32>
      %gt3A_550 = arith.cmpf ogt, %get3A_548, %select_n3A_542 : vector<16xf32>
      %gt3A_551 = arith.cmpf ogt, %get3A_548, %select_n3A_540 : vector<16xf32>
      %broadcast_in_dim3A_552 = arith.constant 28 : i32
      %broadcast_in_dim3A_553 = vector.broadcast %broadcast_in_dim3A_552 : i32 to vector<16xi32>
      %select_n3A_554 = arith.select %gt3A_550, %broadcast_in_dim3A_553, %select_n3A_536 : vector<16xi1>, vector<16xi32>
      %select_n3A_555 = arith.select %gt3A_549, %select_n3A_537, %select_n3A_554 : vector<16xi1>, vector<16xi32>
      %select_n3A_556 = arith.select %gt3A_549, %broadcast_in_dim3A_553, %select_n3A_537 : vector<16xi1>, vector<16xi32>
      %or3A_557 = arith.ori %gt3A_549, %gt3A_550 : vector<16xi1>
      %select_n3A_558 = arith.select %gt3A_551, %get3A_548, %select_n3A_540 : vector<16xi1>, vector<16xf32>
      %select_n3A_559 = arith.select %or3A_557, %select_n3A_542, %select_n3A_558 : vector<16xi1>, vector<16xf32>
      %select_n3A_560 = arith.select %gt3A_550, %get3A_548, %select_n3A_542 : vector<16xi1>, vector<16xf32>
      %select_n3A_561 = arith.select %gt3A_549, %select_n3A_543, %select_n3A_560 : vector<16xi1>, vector<16xf32>
      %select_n3A_562 = arith.select %gt3A_549, %get3A_548, %select_n3A_543 : vector<16xi1>, vector<16xf32>
      %get3A_563 = arith.constant 29 : i32
      %get3A_564 = arith.index_cast %get3A_563 : i32 to index
      %get3A_565 = arith.index_cast %mul3A_10 : i32 to index
      %get3A_566 = tpu.vector_load %arg9[%get3A_564, %get3A_565] {strides = array<i32>} : memref<64x512xf32, #tpu.memory_space<vmem>>, vector<1x16xf32>,
      %get3A_567 = vector.shape_cast %get3A_566 : vector<1x16xf32> to vector<16xf32>
      %gt3A_568 = arith.cmpf ogt, %get3A_567, %select_n3A_562 : vector<16xf32>
      %gt3A_569 = arith.cmpf ogt, %get3A_567, %select_n3A_561 : vector<16xf32>
      %gt3A_570 = arith.cmpf ogt, %get3A_567, %select_n3A_559 : vector<16xf32>
      %broadcast_in_dim3A_571 = arith.constant 29 : i32
      %broadcast_in_dim3A_572 = vector.broadcast %broadcast_in_dim3A_571 : i32 to vector<16xi32>
      %select_n3A_573 = arith.select %gt3A_569, %broadcast_in_dim3A_572, %select_n3A_555 : vector<16xi1>, vector<16xi32>
      %select_n3A_574 = arith.select %gt3A_568, %select_n3A_556, %select_n3A_573 : vector<16xi1>, vector<16xi32>
      %select_n3A_575 = arith.select %gt3A_568, %broadcast_in_dim3A_572, %select_n3A_556 : vector<16xi1>, vector<16xi32>
      %or3A_576 = arith.ori %gt3A_568, %gt3A_569 : vector<16xi1>
      %select_n3A_577 = arith.select %gt3A_570, %get3A_567, %select_n3A_559 : vector<16xi1>, vector<16xf32>
      %select_n3A_578 = arith.select %or3A_576, %select_n3A_561, %select_n3A_577 : vector<16xi1>, vector<16xf32>
      %select_n3A_579 = arith.select %gt3A_569, %get3A_567, %select_n3A_561 : vector<16xi1>, vector<16xf32>
      %select_n3A_580 = arith.select %gt3A_568, %select_n3A_562, %select_n3A_579 : vector<16xi1>, vector<16xf32>
      %select_n3A_581 = arith.select %gt3A_568, %get3A_567, %select_n3A_562 : vector<16xi1>, vector<16xf32>
      %get3A_582 = arith.constant 30 : i32
      %get3A_583 = arith.index_cast %get3A_582 : i32 to index
      %get3A_584 = arith.index_cast %mul3A_10 : i32 to index
      %get3A_585 = tpu.vector_load %arg9[%get3A_583, %get3A_584] {strides = array<i32>} : memref<64x512xf32, #tpu.memory_space<vmem>>, vector<1x16xf32>,
      %get3A_586 = vector.shape_cast %get3A_585 : vector<1x16xf32> to vector<16xf32>
      %gt3A_587 = arith.cmpf ogt, %get3A_586, %select_n3A_581 : vector<16xf32>
      %gt3A_588 = arith.cmpf ogt, %get3A_586, %select_n3A_580 : vector<16xf32>
      %gt3A_589 = arith.cmpf ogt, %get3A_586, %select_n3A_578 : vector<16xf32>
      %broadcast_in_dim3A_590 = arith.constant 30 : i32
      %broadcast_in_dim3A_591 = vector.broadcast %broadcast_in_dim3A_590 : i32 to vector<16xi32>
      %select_n3A_592 = arith.select %gt3A_588, %broadcast_in_dim3A_591, %select_n3A_574 : vector<16xi1>, vector<16xi32>
      %select_n3A_593 = arith.select %gt3A_587, %select_n3A_575, %select_n3A_592 : vector<16xi1>, vector<16xi32>
      %select_n3A_594 = arith.select %gt3A_587, %broadcast_in_dim3A_591, %select_n3A_575 : vector<16xi1>, vector<16xi32>
      %or3A_595 = arith.ori %gt3A_587, %gt3A_588 : vector<16xi1>
      %select_n3A_596 = arith.select %gt3A_589, %get3A_586, %select_n3A_578 : vector<16xi1>, vector<16xf32>
      %select_n3A_597 = arith.select %or3A_595, %select_n3A_580, %select_n3A_596 : vector<16xi1>, vector<16xf32>
      %select_n3A_598 = arith.select %gt3A_588, %get3A_586, %select_n3A_580 : vector<16xi1>, vector<16xf32>
      %select_n3A_599 = arith.select %gt3A_587, %select_n3A_581, %select_n3A_598 : vector<16xi1>, vector<16xf32>
      %select_n3A_600 = arith.select %gt3A_587, %get3A_586, %select_n3A_581 : vector<16xi1>, vector<16xf32>
      %get3A_601 = arith.constant 31 : i32
      %get3A_602 = arith.index_cast %get3A_601 : i32 to index
      %get3A_603 = arith.index_cast %mul3A_10 : i32 to index
      %get3A_604 = tpu.vector_load %arg9[%get3A_602, %get3A_603] {strides = array<i32>} : memref<64x512xf32, #tpu.memory_space<vmem>>, vector<1x16xf32>,
      %get3A_605 = vector.shape_cast %get3A_604 : vector<1x16xf32> to vector<16xf32>
      %gt3A_606 = arith.cmpf ogt, %get3A_605, %select_n3A_600 : vector<16xf32>
      %gt3A_607 = arith.cmpf ogt, %get3A_605, %select_n3A_599 : vector<16xf32>
      %gt3A_608 = arith.cmpf ogt, %get3A_605, %select_n3A_597 : vector<16xf32>
      %broadcast_in_dim3A_609 = arith.constant 31 : i32
      %broadcast_in_dim3A_610 = vector.broadcast %broadcast_in_dim3A_609 : i32 to vector<16xi32>
      %select_n3A_611 = arith.select %gt3A_607, %broadcast_in_dim3A_610, %select_n3A_593 : vector<16xi1>, vector<16xi32>
      %select_n3A_612 = arith.select %gt3A_606, %select_n3A_594, %select_n3A_611 : vector<16xi1>, vector<16xi32>
      %select_n3A_613 = arith.select %gt3A_606, %broadcast_in_dim3A_610, %select_n3A_594 : vector<16xi1>, vector<16xi32>
      %or3A_614 = arith.ori %gt3A_606, %gt3A_607 : vector<16xi1>
      %select_n3A_615 = arith.select %gt3A_608, %get3A_605, %select_n3A_597 : vector<16xi1>, vector<16xf32>
      %select_n3A_616 = arith.select %or3A_614, %select_n3A_599, %select_n3A_615 : vector<16xi1>, vector<16xf32>
      %select_n3A_617 = arith.select %gt3A_607, %get3A_605, %select_n3A_599 : vector<16xi1>, vector<16xf32>
      %select_n3A_618 = arith.select %gt3A_606, %select_n3A_600, %select_n3A_617 : vector<16xi1>, vector<16xf32>
      %select_n3A_619 = arith.select %gt3A_606, %get3A_605, %select_n3A_600 : vector<16xi1>, vector<16xf32>
      %get3A_620 = arith.constant 32 : i32
      %get3A_621 = arith.index_cast %get3A_620 : i32 to index
      %get3A_622 = arith.index_cast %mul3A_10 : i32 to index
      %get3A_623 = tpu.vector_load %arg9[%get3A_621, %get3A_622] {strides = array<i32>} : memref<64x512xf32, #tpu.memory_space<vmem>>, vector<1x16xf32>,
      %get3A_624 = vector.shape_cast %get3A_623 : vector<1x16xf32> to vector<16xf32>
      %gt3A_625 = arith.cmpf ogt, %get3A_624, %select_n3A_619 : vector<16xf32>
      %gt3A_626 = arith.cmpf ogt, %get3A_624, %select_n3A_618 : vector<16xf32>
      %gt3A_627 = arith.cmpf ogt, %get3A_624, %select_n3A_616 : vector<16xf32>
      %broadcast_in_dim3A_628 = arith.constant 32 : i32
      %broadcast_in_dim3A_629 = vector.broadcast %broadcast_in_dim3A_628 : i32 to vector<16xi32>
      %select_n3A_630 = arith.select %gt3A_626, %broadcast_in_dim3A_629, %select_n3A_612 : vector<16xi1>, vector<16xi32>
      %select_n3A_631 = arith.select %gt3A_625, %select_n3A_613, %select_n3A_630 : vector<16xi1>, vector<16xi32>
      %select_n3A_632 = arith.select %gt3A_625, %broadcast_in_dim3A_629, %select_n3A_613 : vector<16xi1>, vector<16xi32>
      %or3A_633 = arith.ori %gt3A_625, %gt3A_626 : vector<16xi1>
      %select_n3A_634 = arith.select %gt3A_627, %get3A_624, %select_n3A_616 : vector<16xi1>, vector<16xf32>
      %select_n3A_635 = arith.select %or3A_633, %select_n3A_618, %select_n3A_634 : vector<16xi1>, vector<16xf32>
      %select_n3A_636 = arith.select %gt3A_626, %get3A_624, %select_n3A_618 : vector<16xi1>, vector<16xf32>
      %select_n3A_637 = arith.select %gt3A_625, %select_n3A_619, %select_n3A_636 : vector<16xi1>, vector<16xf32>
      %select_n3A_638 = arith.select %gt3A_625, %get3A_624, %select_n3A_619 : vector<16xi1>, vector<16xf32>
      %get3A_639 = arith.constant 33 : i32
      %get3A_640 = arith.index_cast %get3A_639 : i32 to index
      %get3A_641 = arith.index_cast %mul3A_10 : i32 to index
      %get3A_642 = tpu.vector_load %arg9[%get3A_640, %get3A_641] {strides = array<i32>} : memref<64x512xf32, #tpu.memory_space<vmem>>, vector<1x16xf32>,
      %get3A_643 = vector.shape_cast %get3A_642 : vector<1x16xf32> to vector<16xf32>
      %gt3A_644 = arith.cmpf ogt, %get3A_643, %select_n3A_638 : vector<16xf32>
      %gt3A_645 = arith.cmpf ogt, %get3A_643, %select_n3A_637 : vector<16xf32>
      %gt3A_646 = arith.cmpf ogt, %get3A_643, %select_n3A_635 : vector<16xf32>
      %broadcast_in_dim3A_647 = arith.constant 33 : i32
      %broadcast_in_dim3A_648 = vector.broadcast %broadcast_in_dim3A_647 : i32 to vector<16xi32>
      %select_n3A_649 = arith.select %gt3A_645, %broadcast_in_dim3A_648, %select_n3A_631 : vector<16xi1>, vector<16xi32>
      %select_n3A_650 = arith.select %gt3A_644, %select_n3A_632, %select_n3A_649 : vector<16xi1>, vector<16xi32>
      %select_n3A_651 = arith.select %gt3A_644, %broadcast_in_dim3A_648, %select_n3A_632 : vector<16xi1>, vector<16xi32>
      %or3A_652 = arith.ori %gt3A_644, %gt3A_645 : vector<16xi1>
      %select_n3A_653 = arith.select %gt3A_646, %get3A_643, %select_n3A_635 : vector<16xi1>, vector<16xf32>
      %select_n3A_654 = arith.select %or3A_652, %select_n3A_637, %select_n3A_653 : vector<16xi1>, vector<16xf32>
      %select_n3A_655 = arith.select %gt3A_645, %get3A_643, %select_n3A_637 : vector<16xi1>, vector<16xf32>
      %select_n3A_656 = arith.select %gt3A_644, %select_n3A_638, %select_n3A_655 : vector<16xi1>, vector<16xf32>
      %select_n3A_657 = arith.select %gt3A_644, %get3A_643, %select_n3A_638 : vector<16xi1>, vector<16xf32>
      %get3A_658 = arith.constant 34 : i32
      %get3A_659 = arith.index_cast %get3A_658 : i32 to index
      %get3A_660 = arith.index_cast %mul3A_10 : i32 to index
      %get3A_661 = tpu.vector_load %arg9[%get3A_659, %get3A_660] {strides = array<i32>} : memref<64x512xf32, #tpu.memory_space<vmem>>, vector<1x16xf32>,
      %get3A_662 = vector.shape_cast %get3A_661 : vector<1x16xf32> to vector<16xf32>
      %gt3A_663 = arith.cmpf ogt, %get3A_662, %select_n3A_657 : vector<16xf32>
      %gt3A_664 = arith.cmpf ogt, %get3A_662, %select_n3A_656 : vector<16xf32>
      %gt3A_665 = arith.cmpf ogt, %get3A_662, %select_n3A_654 : vector<16xf32>
      %broadcast_in_dim3A_666 = arith.constant 34 : i32
      %broadcast_in_dim3A_667 = vector.broadcast %broadcast_in_dim3A_666 : i32 to vector<16xi32>
      %select_n3A_668 = arith.select %gt3A_664, %broadcast_in_dim3A_667, %select_n3A_650 : vector<16xi1>, vector<16xi32>
      %select_n3A_669 = arith.select %gt3A_663, %select_n3A_651, %select_n3A_668 : vector<16xi1>, vector<16xi32>
      %select_n3A_670 = arith.select %gt3A_663, %broadcast_in_dim3A_667, %select_n3A_651 : vector<16xi1>, vector<16xi32>
      %or3A_671 = arith.ori %gt3A_663, %gt3A_664 : vector<16xi1>
      %select_n3A_672 = arith.select %gt3A_665, %get3A_662, %select_n3A_654 : vector<16xi1>, vector<16xf32>
      %select_n3A_673 = arith.select %or3A_671, %select_n3A_656, %select_n3A_672 : vector<16xi1>, vector<16xf32>
      %select_n3A_674 = arith.select %gt3A_664, %get3A_662, %select_n3A_656 : vector<16xi1>, vector<16xf32>
      %select_n3A_675 = arith.select %gt3A_663, %select_n3A_657, %select_n3A_674 : vector<16xi1>, vector<16xf32>
      %select_n3A_676 = arith.select %gt3A_663, %get3A_662, %select_n3A_657 : vector<16xi1>, vector<16xf32>
      %get3A_677 = arith.constant 35 : i32
      %get3A_678 = arith.index_cast %get3A_677 : i32 to index
      %get3A_679 = arith.index_cast %mul3A_10 : i32 to index
      %get3A_680 = tpu.vector_load %arg9[%get3A_678, %get3A_679] {strides = array<i32>} : memref<64x512xf32, #tpu.memory_space<vmem>>, vector<1x16xf32>,
      %get3A_681 = vector.shape_cast %get3A_680 : vector<1x16xf32> to vector<16xf32>
      %gt3A_682 = arith.cmpf ogt, %get3A_681, %select_n3A_676 : vector<16xf32>
      %gt3A_683 = arith.cmpf ogt, %get3A_681, %select_n3A_675 : vector<16xf32>
      %gt3A_684 = arith.cmpf ogt, %get3A_681, %select_n3A_673 : vector<16xf32>
      %broadcast_in_dim3A_685 = arith.constant 35 : i32
      %broadcast_in_dim3A_686 = vector.broadcast %broadcast_in_dim3A_685 : i32 to vector<16xi32>
      %select_n3A_687 = arith.select %gt3A_683, %broadcast_in_dim3A_686, %select_n3A_669 : vector<16xi1>, vector<16xi32>
      %select_n3A_688 = arith.select %gt3A_682, %select_n3A_670, %select_n3A_687 : vector<16xi1>, vector<16xi32>
      %select_n3A_689 = arith.select %gt3A_682, %broadcast_in_dim3A_686, %select_n3A_670 : vector<16xi1>, vector<16xi32>
      %or3A_690 = arith.ori %gt3A_682, %gt3A_683 : vector<16xi1>
      %select_n3A_691 = arith.select %gt3A_684, %get3A_681, %select_n3A_673 : vector<16xi1>, vector<16xf32>
      %select_n3A_692 = arith.select %or3A_690, %select_n3A_675, %select_n3A_691 : vector<16xi1>, vector<16xf32>
      %select_n3A_693 = arith.select %gt3A_683, %get3A_681, %select_n3A_675 : vector<16xi1>, vector<16xf32>
      %select_n3A_694 = arith.select %gt3A_682, %select_n3A_676, %select_n3A_693 : vector<16xi1>, vector<16xf32>
      %select_n3A_695 = arith.select %gt3A_682, %get3A_681, %select_n3A_676 : vector<16xi1>, vector<16xf32>
      %get3A_696 = arith.constant 36 : i32
      %get3A_697 = arith.index_cast %get3A_696 : i32 to index
      %get3A_698 = arith.index_cast %mul3A_10 : i32 to index
      %get3A_699 = tpu.vector_load %arg9[%get3A_697, %get3A_698] {strides = array<i32>} : memref<64x512xf32, #tpu.memory_space<vmem>>, vector<1x16xf32>,
      %get3A_700 = vector.shape_cast %get3A_699 : vector<1x16xf32> to vector<16xf32>
      %gt3A_701 = arith.cmpf ogt, %get3A_700, %select_n3A_695 : vector<16xf32>
      %gt3A_702 = arith.cmpf ogt, %get3A_700, %select_n3A_694 : vector<16xf32>
      %gt3A_703 = arith.cmpf ogt, %get3A_700, %select_n3A_692 : vector<16xf32>
      %broadcast_in_dim3A_704 = arith.constant 36 : i32
      %broadcast_in_dim3A_705 = vector.broadcast %broadcast_in_dim3A_704 : i32 to vector<16xi32>
      %select_n3A_706 = arith.select %gt3A_702, %broadcast_in_dim3A_705, %select_n3A_688 : vector<16xi1>, vector<16xi32>
      %select_n3A_707 = arith.select %gt3A_701, %select_n3A_689, %select_n3A_706 : vector<16xi1>, vector<16xi32>
      %select_n3A_708 = arith.select %gt3A_701, %broadcast_in_dim3A_705, %select_n3A_689 : vector<16xi1>, vector<16xi32>
      %or3A_709 = arith.ori %gt3A_701, %gt3A_702 : vector<16xi1>
      %select_n3A_710 = arith.select %gt3A_703, %get3A_700, %select_n3A_692 : vector<16xi1>, vector<16xf32>
      %select_n3A_711 = arith.select %or3A_709, %select_n3A_694, %select_n3A_710 : vector<16xi1>, vector<16xf32>
      %select_n3A_712 = arith.select %gt3A_702, %get3A_700, %select_n3A_694 : vector<16xi1>, vector<16xf32>
      %select_n3A_713 = arith.select %gt3A_701, %select_n3A_695, %select_n3A_712 : vector<16xi1>, vector<16xf32>
      %select_n3A_714 = arith.select %gt3A_701, %get3A_700, %select_n3A_695 : vector<16xi1>, vector<16xf32>
      %get3A_715 = arith.constant 37 : i32
      %get3A_716 = arith.index_cast %get3A_715 : i32 to index
      %get3A_717 = arith.index_cast %mul3A_10 : i32 to index
      %get3A_718 = tpu.vector_load %arg9[%get3A_716, %get3A_717] {strides = array<i32>} : memref<64x512xf32, #tpu.memory_space<vmem>>, vector<1x16xf32>,
      %get3A_719 = vector.shape_cast %get3A_718 : vector<1x16xf32> to vector<16xf32>
      %gt3A_720 = arith.cmpf ogt, %get3A_719, %select_n3A_714 : vector<16xf32>
      %gt3A_721 = arith.cmpf ogt, %get3A_719, %select_n3A_713 : vector<16xf32>
      %gt3A_722 = arith.cmpf ogt, %get3A_719, %select_n3A_711 : vector<16xf32>
      %broadcast_in_dim3A_723 = arith.constant 37 : i32
      %broadcast_in_dim3A_724 = vector.broadcast %broadcast_in_dim3A_723 : i32 to vector<16xi32>
      %select_n3A_725 = arith.select %gt3A_721, %broadcast_in_dim3A_724, %select_n3A_707 : vector<16xi1>, vector<16xi32>
      %select_n3A_726 = arith.select %gt3A_720, %select_n3A_708, %select_n3A_725 : vector<16xi1>, vector<16xi32>
      %select_n3A_727 = arith.select %gt3A_720, %broadcast_in_dim3A_724, %select_n3A_708 : vector<16xi1>, vector<16xi32>
      %or3A_728 = arith.ori %gt3A_720, %gt3A_721 : vector<16xi1>
      %select_n3A_729 = arith.select %gt3A_722, %get3A_719, %select_n3A_711 : vector<16xi1>, vector<16xf32>
      %select_n3A_730 = arith.select %or3A_728, %select_n3A_713, %select_n3A_729 : vector<16xi1>, vector<16xf32>
      %select_n3A_731 = arith.select %gt3A_721, %get3A_719, %select_n3A_713 : vector<16xi1>, vector<16xf32>
      %select_n3A_732 = arith.select %gt3A_720, %select_n3A_714, %select_n3A_731 : vector<16xi1>, vector<16xf32>
      %select_n3A_733 = arith.select %gt3A_720, %get3A_719, %select_n3A_714 : vector<16xi1>, vector<16xf32>
      %get3A_734 = arith.constant 38 : i32
      %get3A_735 = arith.index_cast %get3A_734 : i32 to index
      %get3A_736 = arith.index_cast %mul3A_10 : i32 to index
      %get3A_737 = tpu.vector_load %arg9[%get3A_735, %get3A_736] {strides = array<i32>} : memref<64x512xf32, #tpu.memory_space<vmem>>, vector<1x16xf32>,
      %get3A_738 = vector.shape_cast %get3A_737 : vector<1x16xf32> to vector<16xf32>
      %gt3A_739 = arith.cmpf ogt, %get3A_738, %select_n3A_733 : vector<16xf32>
      %gt3A_740 = arith.cmpf ogt, %get3A_738, %select_n3A_732 : vector<16xf32>
      %gt3A_741 = arith.cmpf ogt, %get3A_738, %select_n3A_730 : vector<16xf32>
      %broadcast_in_dim3A_742 = arith.constant 38 : i32
      %broadcast_in_dim3A_743 = vector.broadcast %broadcast_in_dim3A_742 : i32 to vector<16xi32>
      %select_n3A_744 = arith.select %gt3A_740, %broadcast_in_dim3A_743, %select_n3A_726 : vector<16xi1>, vector<16xi32>
      %select_n3A_745 = arith.select %gt3A_739, %select_n3A_727, %select_n3A_744 : vector<16xi1>, vector<16xi32>
      %select_n3A_746 = arith.select %gt3A_739, %broadcast_in_dim3A_743, %select_n3A_727 : vector<16xi1>, vector<16xi32>
      %or3A_747 = arith.ori %gt3A_739, %gt3A_740 : vector<16xi1>
      %select_n3A_748 = arith.select %gt3A_741, %get3A_738, %select_n3A_730 : vector<16xi1>, vector<16xf32>
      %select_n3A_749 = arith.select %or3A_747, %select_n3A_732, %select_n3A_748 : vector<16xi1>, vector<16xf32>
      %select_n3A_750 = arith.select %gt3A_740, %get3A_738, %select_n3A_732 : vector<16xi1>, vector<16xf32>
      %select_n3A_751 = arith.select %gt3A_739, %select_n3A_733, %select_n3A_750 : vector<16xi1>, vector<16xf32>
      %select_n3A_752 = arith.select %gt3A_739, %get3A_738, %select_n3A_733 : vector<16xi1>, vector<16xf32>
      %get3A_753 = arith.constant 39 : i32
      %get3A_754 = arith.index_cast %get3A_753 : i32 to index
      %get3A_755 = arith.index_cast %mul3A_10 : i32 to index
      %get3A_756 = tpu.vector_load %arg9[%get3A_754, %get3A_755] {strides = array<i32>} : memref<64x512xf32, #tpu.memory_space<vmem>>, vector<1x16xf32>,
      %get3A_757 = vector.shape_cast %get3A_756 : vector<1x16xf32> to vector<16xf32>
      %gt3A_758 = arith.cmpf ogt, %get3A_757, %select_n3A_752 : vector<16xf32>
      %gt3A_759 = arith.cmpf ogt, %get3A_757, %select_n3A_751 : vector<16xf32>
      %gt3A_760 = arith.cmpf ogt, %get3A_757, %select_n3A_749 : vector<16xf32>
      %broadcast_in_dim3A_761 = arith.constant 39 : i32
      %broadcast_in_dim3A_762 = vector.broadcast %broadcast_in_dim3A_761 : i32 to vector<16xi32>
      %select_n3A_763 = arith.select %gt3A_759, %broadcast_in_dim3A_762, %select_n3A_745 : vector<16xi1>, vector<16xi32>
      %select_n3A_764 = arith.select %gt3A_758, %select_n3A_746, %select_n3A_763 : vector<16xi1>, vector<16xi32>
      %select_n3A_765 = arith.select %gt3A_758, %broadcast_in_dim3A_762, %select_n3A_746 : vector<16xi1>, vector<16xi32>
      %or3A_766 = arith.ori %gt3A_758, %gt3A_759 : vector<16xi1>
      %select_n3A_767 = arith.select %gt3A_760, %get3A_757, %select_n3A_749 : vector<16xi1>, vector<16xf32>
      %select_n3A_768 = arith.select %or3A_766, %select_n3A_751, %select_n3A_767 : vector<16xi1>, vector<16xf32>
      %select_n3A_769 = arith.select %gt3A_759, %get3A_757, %select_n3A_751 : vector<16xi1>, vector<16xf32>
      %select_n3A_770 = arith.select %gt3A_758, %select_n3A_752, %select_n3A_769 : vector<16xi1>, vector<16xf32>
      %select_n3A_771 = arith.select %gt3A_758, %get3A_757, %select_n3A_752 : vector<16xi1>, vector<16xf32>
      %get3A_772 = arith.constant 40 : i32
      %get3A_773 = arith.index_cast %get3A_772 : i32 to index
      %get3A_774 = arith.index_cast %mul3A_10 : i32 to index
      %get3A_775 = tpu.vector_load %arg9[%get3A_773, %get3A_774] {strides = array<i32>} : memref<64x512xf32, #tpu.memory_space<vmem>>, vector<1x16xf32>,
      %get3A_776 = vector.shape_cast %get3A_775 : vector<1x16xf32> to vector<16xf32>
      %gt3A_777 = arith.cmpf ogt, %get3A_776, %select_n3A_771 : vector<16xf32>
      %gt3A_778 = arith.cmpf ogt, %get3A_776, %select_n3A_770 : vector<16xf32>
      %gt3A_779 = arith.cmpf ogt, %get3A_776, %select_n3A_768 : vector<16xf32>
      %broadcast_in_dim3A_780 = arith.constant 40 : i32
      %broadcast_in_dim3A_781 = vector.broadcast %broadcast_in_dim3A_780 : i32 to vector<16xi32>
      %select_n3A_782 = arith.select %gt3A_778, %broadcast_in_dim3A_781, %select_n3A_764 : vector<16xi1>, vector<16xi32>
      %select_n3A_783 = arith.select %gt3A_777, %select_n3A_765, %select_n3A_782 : vector<16xi1>, vector<16xi32>
      %select_n3A_784 = arith.select %gt3A_777, %broadcast_in_dim3A_781, %select_n3A_765 : vector<16xi1>, vector<16xi32>
      %or3A_785 = arith.ori %gt3A_777, %gt3A_778 : vector<16xi1>
      %select_n3A_786 = arith.select %gt3A_779, %get3A_776, %select_n3A_768 : vector<16xi1>, vector<16xf32>
      %select_n3A_787 = arith.select %or3A_785, %select_n3A_770, %select_n3A_786 : vector<16xi1>, vector<16xf32>
      %select_n3A_788 = arith.select %gt3A_778, %get3A_776, %select_n3A_770 : vector<16xi1>, vector<16xf32>
      %select_n3A_789 = arith.select %gt3A_777, %select_n3A_771, %select_n3A_788 : vector<16xi1>, vector<16xf32>
      %select_n3A_790 = arith.select %gt3A_777, %get3A_776, %select_n3A_771 : vector<16xi1>, vector<16xf32>
      %get3A_791 = arith.constant 41 : i32
      %get3A_792 = arith.index_cast %get3A_791 : i32 to index
      %get3A_793 = arith.index_cast %mul3A_10 : i32 to index
      %get3A_794 = tpu.vector_load %arg9[%get3A_792, %get3A_793] {strides = array<i32>} : memref<64x512xf32, #tpu.memory_space<vmem>>, vector<1x16xf32>,
      %get3A_795 = vector.shape_cast %get3A_794 : vector<1x16xf32> to vector<16xf32>
      %gt3A_796 = arith.cmpf ogt, %get3A_795, %select_n3A_790 : vector<16xf32>
      %gt3A_797 = arith.cmpf ogt, %get3A_795, %select_n3A_789 : vector<16xf32>
      %gt3A_798 = arith.cmpf ogt, %get3A_795, %select_n3A_787 : vector<16xf32>
      %broadcast_in_dim3A_799 = arith.constant 41 : i32
      %broadcast_in_dim3A_800 = vector.broadcast %broadcast_in_dim3A_799 : i32 to vector<16xi32>
      %select_n3A_801 = arith.select %gt3A_797, %broadcast_in_dim3A_800, %select_n3A_783 : vector<16xi1>, vector<16xi32>
      %select_n3A_802 = arith.select %gt3A_796, %select_n3A_784, %select_n3A_801 : vector<16xi1>, vector<16xi32>
      %select_n3A_803 = arith.select %gt3A_796, %broadcast_in_dim3A_800, %select_n3A_784 : vector<16xi1>, vector<16xi32>
      %or3A_804 = arith.ori %gt3A_796, %gt3A_797 : vector<16xi1>
      %select_n3A_805 = arith.select %gt3A_798, %get3A_795, %select_n3A_787 : vector<16xi1>, vector<16xf32>
      %select_n3A_806 = arith.select %or3A_804, %select_n3A_789, %select_n3A_805 : vector<16xi1>, vector<16xf32>
      %select_n3A_807 = arith.select %gt3A_797, %get3A_795, %select_n3A_789 : vector<16xi1>, vector<16xf32>
      %select_n3A_808 = arith.select %gt3A_796, %select_n3A_790, %select_n3A_807 : vector<16xi1>, vector<16xf32>
      %select_n3A_809 = arith.select %gt3A_796, %get3A_795, %select_n3A_790 : vector<16xi1>, vector<16xf32>
      %get3A_810 = arith.constant 42 : i32
      %get3A_811 = arith.index_cast %get3A_810 : i32 to index
      %get3A_812 = arith.index_cast %mul3A_10 : i32 to index
      %get3A_813 = tpu.vector_load %arg9[%get3A_811, %get3A_812] {strides = array<i32>} : memref<64x512xf32, #tpu.memory_space<vmem>>, vector<1x16xf32>,
      %get3A_814 = vector.shape_cast %get3A_813 : vector<1x16xf32> to vector<16xf32>
      %gt3A_815 = arith.cmpf ogt, %get3A_814, %select_n3A_809 : vector<16xf32>
      %gt3A_816 = arith.cmpf ogt, %get3A_814, %select_n3A_808 : vector<16xf32>
      %gt3A_817 = arith.cmpf ogt, %get3A_814, %select_n3A_806 : vector<16xf32>
      %broadcast_in_dim3A_818 = arith.constant 42 : i32
      %broadcast_in_dim3A_819 = vector.broadcast %broadcast_in_dim3A_818 : i32 to vector<16xi32>
      %select_n3A_820 = arith.select %gt3A_816, %broadcast_in_dim3A_819, %select_n3A_802 : vector<16xi1>, vector<16xi32>
      %select_n3A_821 = arith.select %gt3A_815, %select_n3A_803, %select_n3A_820 : vector<16xi1>, vector<16xi32>
      %select_n3A_822 = arith.select %gt3A_815, %broadcast_in_dim3A_819, %select_n3A_803 : vector<16xi1>, vector<16xi32>
      %or3A_823 = arith.ori %gt3A_815, %gt3A_816 : vector<16xi1>
      %select_n3A_824 = arith.select %gt3A_817, %get3A_814, %select_n3A_806 : vector<16xi1>, vector<16xf32>
      %select_n3A_825 = arith.select %or3A_823, %select_n3A_808, %select_n3A_824 : vector<16xi1>, vector<16xf32>
      %select_n3A_826 = arith.select %gt3A_816, %get3A_814, %select_n3A_808 : vector<16xi1>, vector<16xf32>
      %select_n3A_827 = arith.select %gt3A_815, %select_n3A_809, %select_n3A_826 : vector<16xi1>, vector<16xf32>
      %select_n3A_828 = arith.select %gt3A_815, %get3A_814, %select_n3A_809 : vector<16xi1>, vector<16xf32>
      %get3A_829 = arith.constant 43 : i32
      %get3A_830 = arith.index_cast %get3A_829 : i32 to index
      %get3A_831 = arith.index_cast %mul3A_10 : i32 to index
      %get3A_832 = tpu.vector_load %arg9[%get3A_830, %get3A_831] {strides = array<i32>} : memref<64x512xf32, #tpu.memory_space<vmem>>, vector<1x16xf32>,
      %get3A_833 = vector.shape_cast %get3A_832 : vector<1x16xf32> to vector<16xf32>
      %gt3A_834 = arith.cmpf ogt, %get3A_833, %select_n3A_828 : vector<16xf32>
      %gt3A_835 = arith.cmpf ogt, %get3A_833, %select_n3A_827 : vector<16xf32>
      %gt3A_836 = arith.cmpf ogt, %get3A_833, %select_n3A_825 : vector<16xf32>
      %broadcast_in_dim3A_837 = arith.constant 43 : i32
      %broadcast_in_dim3A_838 = vector.broadcast %broadcast_in_dim3A_837 : i32 to vector<16xi32>
      %select_n3A_839 = arith.select %gt3A_835, %broadcast_in_dim3A_838, %select_n3A_821 : vector<16xi1>, vector<16xi32>
      %select_n3A_840 = arith.select %gt3A_834, %select_n3A_822, %select_n3A_839 : vector<16xi1>, vector<16xi32>
      %select_n3A_841 = arith.select %gt3A_834, %broadcast_in_dim3A_838, %select_n3A_822 : vector<16xi1>, vector<16xi32>
      %or3A_842 = arith.ori %gt3A_834, %gt3A_835 : vector<16xi1>
      %select_n3A_843 = arith.select %gt3A_836, %get3A_833, %select_n3A_825 : vector<16xi1>, vector<16xf32>
      %select_n3A_844 = arith.select %or3A_842, %select_n3A_827, %select_n3A_843 : vector<16xi1>, vector<16xf32>
      %select_n3A_845 = arith.select %gt3A_835, %get3A_833, %select_n3A_827 : vector<16xi1>, vector<16xf32>
      %select_n3A_846 = arith.select %gt3A_834, %select_n3A_828, %select_n3A_845 : vector<16xi1>, vector<16xf32>
      %select_n3A_847 = arith.select %gt3A_834, %get3A_833, %select_n3A_828 : vector<16xi1>, vector<16xf32>
      %get3A_848 = arith.constant 44 : i32
      %get3A_849 = arith.index_cast %get3A_848 : i32 to index
      %get3A_850 = arith.index_cast %mul3A_10 : i32 to index
      %get3A_851 = tpu.vector_load %arg9[%get3A_849, %get3A_850] {strides = array<i32>} : memref<64x512xf32, #tpu.memory_space<vmem>>, vector<1x16xf32>,
      %get3A_852 = vector.shape_cast %get3A_851 : vector<1x16xf32> to vector<16xf32>
      %gt3A_853 = arith.cmpf ogt, %get3A_852, %select_n3A_847 : vector<16xf32>
      %gt3A_854 = arith.cmpf ogt, %get3A_852, %select_n3A_846 : vector<16xf32>
      %gt3A_855 = arith.cmpf ogt, %get3A_852, %select_n3A_844 : vector<16xf32>
      %broadcast_in_dim3A_856 = arith.constant 44 : i32
      %broadcast_in_dim3A_857 = vector.broadcast %broadcast_in_dim3A_856 : i32 to vector<16xi32>
      %select_n3A_858 = arith.select %gt3A_854, %broadcast_in_dim3A_857, %select_n3A_840 : vector<16xi1>, vector<16xi32>
      %select_n3A_859 = arith.select %gt3A_853, %select_n3A_841, %select_n3A_858 : vector<16xi1>, vector<16xi32>
      %select_n3A_860 = arith.select %gt3A_853, %broadcast_in_dim3A_857, %select_n3A_841 : vector<16xi1>, vector<16xi32>
      %or3A_861 = arith.ori %gt3A_853, %gt3A_854 : vector<16xi1>
      %select_n3A_862 = arith.select %gt3A_855, %get3A_852, %select_n3A_844 : vector<16xi1>, vector<16xf32>
      %select_n3A_863 = arith.select %or3A_861, %select_n3A_846, %select_n3A_862 : vector<16xi1>, vector<16xf32>
      %select_n3A_864 = arith.select %gt3A_854, %get3A_852, %select_n3A_846 : vector<16xi1>, vector<16xf32>
      %select_n3A_865 = arith.select %gt3A_853, %select_n3A_847, %select_n3A_864 : vector<16xi1>, vector<16xf32>
      %select_n3A_866 = arith.select %gt3A_853, %get3A_852, %select_n3A_847 : vector<16xi1>, vector<16xf32>
      %get3A_867 = arith.constant 45 : i32
      %get3A_868 = arith.index_cast %get3A_867 : i32 to index
      %get3A_869 = arith.index_cast %mul3A_10 : i32 to index
      %get3A_870 = tpu.vector_load %arg9[%get3A_868, %get3A_869] {strides = array<i32>} : memref<64x512xf32, #tpu.memory_space<vmem>>, vector<1x16xf32>,
      %get3A_871 = vector.shape_cast %get3A_870 : vector<1x16xf32> to vector<16xf32>
      %gt3A_872 = arith.cmpf ogt, %get3A_871, %select_n3A_866 : vector<16xf32>
      %gt3A_873 = arith.cmpf ogt, %get3A_871, %select_n3A_865 : vector<16xf32>
      %gt3A_874 = arith.cmpf ogt, %get3A_871, %select_n3A_863 : vector<16xf32>
      %broadcast_in_dim3A_875 = arith.constant 45 : i32
      %broadcast_in_dim3A_876 = vector.broadcast %broadcast_in_dim3A_875 : i32 to vector<16xi32>
      %select_n3A_877 = arith.select %gt3A_873, %broadcast_in_dim3A_876, %select_n3A_859 : vector<16xi1>, vector<16xi32>
      %select_n3A_878 = arith.select %gt3A_872, %select_n3A_860, %select_n3A_877 : vector<16xi1>, vector<16xi32>
      %select_n3A_879 = arith.select %gt3A_872, %broadcast_in_dim3A_876, %select_n3A_860 : vector<16xi1>, vector<16xi32>
      %or3A_880 = arith.ori %gt3A_872, %gt3A_873 : vector<16xi1>
      %select_n3A_881 = arith.select %gt3A_874, %get3A_871, %select_n3A_863 : vector<16xi1>, vector<16xf32>
      %select_n3A_882 = arith.select %or3A_880, %select_n3A_865, %select_n3A_881 : vector<16xi1>, vector<16xf32>
      %select_n3A_883 = arith.select %gt3A_873, %get3A_871, %select_n3A_865 : vector<16xi1>, vector<16xf32>
      %select_n3A_884 = arith.select %gt3A_872, %select_n3A_866, %select_n3A_883 : vector<16xi1>, vector<16xf32>
      %select_n3A_885 = arith.select %gt3A_872, %get3A_871, %select_n3A_866 : vector<16xi1>, vector<16xf32>
      %get3A_886 = arith.constant 46 : i32
      %get3A_887 = arith.index_cast %get3A_886 : i32 to index
      %get3A_888 = arith.index_cast %mul3A_10 : i32 to index
      %get3A_889 = tpu.vector_load %arg9[%get3A_887, %get3A_888] {strides = array<i32>} : memref<64x512xf32, #tpu.memory_space<vmem>>, vector<1x16xf32>,
      %get3A_890 = vector.shape_cast %get3A_889 : vector<1x16xf32> to vector<16xf32>
      %gt3A_891 = arith.cmpf ogt, %get3A_890, %select_n3A_885 : vector<16xf32>
      %gt3A_892 = arith.cmpf ogt, %get3A_890, %select_n3A_884 : vector<16xf32>
      %gt3A_893 = arith.cmpf ogt, %get3A_890, %select_n3A_882 : vector<16xf32>
      %broadcast_in_dim3A_894 = arith.constant 46 : i32
      %broadcast_in_dim3A_895 = vector.broadcast %broadcast_in_dim3A_894 : i32 to vector<16xi32>
      %select_n3A_896 = arith.select %gt3A_892, %broadcast_in_dim3A_895, %select_n3A_878 : vector<16xi1>, vector<16xi32>
      %select_n3A_897 = arith.select %gt3A_891, %select_n3A_879, %select_n3A_896 : vector<16xi1>, vector<16xi32>
      %select_n3A_898 = arith.select %gt3A_891, %broadcast_in_dim3A_895, %select_n3A_879 : vector<16xi1>, vector<16xi32>
      %or3A_899 = arith.ori %gt3A_891, %gt3A_892 : vector<16xi1>
      %select_n3A_900 = arith.select %gt3A_893, %get3A_890, %select_n3A_882 : vector<16xi1>, vector<16xf32>
      %select_n3A_901 = arith.select %or3A_899, %select_n3A_884, %select_n3A_900 : vector<16xi1>, vector<16xf32>
      %select_n3A_902 = arith.select %gt3A_892, %get3A_890, %select_n3A_884 : vector<16xi1>, vector<16xf32>
      %select_n3A_903 = arith.select %gt3A_891, %select_n3A_885, %select_n3A_902 : vector<16xi1>, vector<16xf32>
      %select_n3A_904 = arith.select %gt3A_891, %get3A_890, %select_n3A_885 : vector<16xi1>, vector<16xf32>
      %get3A_905 = arith.constant 47 : i32
      %get3A_906 = arith.index_cast %get3A_905 : i32 to index
      %get3A_907 = arith.index_cast %mul3A_10 : i32 to index
      %get3A_908 = tpu.vector_load %arg9[%get3A_906, %get3A_907] {strides = array<i32>} : memref<64x512xf32, #tpu.memory_space<vmem>>, vector<1x16xf32>,
      %get3A_909 = vector.shape_cast %get3A_908 : vector<1x16xf32> to vector<16xf32>
      %gt3A_910 = arith.cmpf ogt, %get3A_909, %select_n3A_904 : vector<16xf32>
      %gt3A_911 = arith.cmpf ogt, %get3A_909, %select_n3A_903 : vector<16xf32>
      %gt3A_912 = arith.cmpf ogt, %get3A_909, %select_n3A_901 : vector<16xf32>
      %broadcast_in_dim3A_913 = arith.constant 47 : i32
      %broadcast_in_dim3A_914 = vector.broadcast %broadcast_in_dim3A_913 : i32 to vector<16xi32>
      %select_n3A_915 = arith.select %gt3A_911, %broadcast_in_dim3A_914, %select_n3A_897 : vector<16xi1>, vector<16xi32>
      %select_n3A_916 = arith.select %gt3A_910, %select_n3A_898, %select_n3A_915 : vector<16xi1>, vector<16xi32>
      %select_n3A_917 = arith.select %gt3A_910, %broadcast_in_dim3A_914, %select_n3A_898 : vector<16xi1>, vector<16xi32>
      %or3A_918 = arith.ori %gt3A_910, %gt3A_911 : vector<16xi1>
      %select_n3A_919 = arith.select %gt3A_912, %get3A_909, %select_n3A_901 : vector<16xi1>, vector<16xf32>
      %select_n3A_920 = arith.select %or3A_918, %select_n3A_903, %select_n3A_919 : vector<16xi1>, vector<16xf32>
      %select_n3A_921 = arith.select %gt3A_911, %get3A_909, %select_n3A_903 : vector<16xi1>, vector<16xf32>
      %select_n3A_922 = arith.select %gt3A_910, %select_n3A_904, %select_n3A_921 : vector<16xi1>, vector<16xf32>
      %select_n3A_923 = arith.select %gt3A_910, %get3A_909, %select_n3A_904 : vector<16xi1>, vector<16xf32>
      %get3A_924 = arith.constant 48 : i32
      %get3A_925 = arith.index_cast %get3A_924 : i32 to index
      %get3A_926 = arith.index_cast %mul3A_10 : i32 to index
      %get3A_927 = tpu.vector_load %arg9[%get3A_925, %get3A_926] {strides = array<i32>} : memref<64x512xf32, #tpu.memory_space<vmem>>, vector<1x16xf32>,
      %get3A_928 = vector.shape_cast %get3A_927 : vector<1x16xf32> to vector<16xf32>
      %gt3A_929 = arith.cmpf ogt, %get3A_928, %select_n3A_923 : vector<16xf32>
      %gt3A_930 = arith.cmpf ogt, %get3A_928, %select_n3A_922 : vector<16xf32>
      %gt3A_931 = arith.cmpf ogt, %get3A_928, %select_n3A_920 : vector<16xf32>
      %broadcast_in_dim3A_932 = arith.constant 48 : i32
      %broadcast_in_dim3A_933 = vector.broadcast %broadcast_in_dim3A_932 : i32 to vector<16xi32>
      %select_n3A_934 = arith.select %gt3A_930, %broadcast_in_dim3A_933, %select_n3A_916 : vector<16xi1>, vector<16xi32>
      %select_n3A_935 = arith.select %gt3A_929, %select_n3A_917, %select_n3A_934 : vector<16xi1>, vector<16xi32>
      %select_n3A_936 = arith.select %gt3A_929, %broadcast_in_dim3A_933, %select_n3A_917 : vector<16xi1>, vector<16xi32>
      %or3A_937 = arith.ori %gt3A_929, %gt3A_930 : vector<16xi1>
      %select_n3A_938 = arith.select %gt3A_931, %get3A_928, %select_n3A_920 : vector<16xi1>, vector<16xf32>
      %select_n3A_939 = arith.select %or3A_937, %select_n3A_922, %select_n3A_938 : vector<16xi1>, vector<16xf32>
      %select_n3A_940 = arith.select %gt3A_930, %get3A_928, %select_n3A_922 : vector<16xi1>, vector<16xf32>
      %select_n3A_941 = arith.select %gt3A_929, %select_n3A_923, %select_n3A_940 : vector<16xi1>, vector<16xf32>
      %select_n3A_942 = arith.select %gt3A_929, %get3A_928, %select_n3A_923 : vector<16xi1>, vector<16xf32>
      %get3A_943 = arith.constant 49 : i32
      %get3A_944 = arith.index_cast %get3A_943 : i32 to index
      %get3A_945 = arith.index_cast %mul3A_10 : i32 to index
      %get3A_946 = tpu.vector_load %arg9[%get3A_944, %get3A_945] {strides = array<i32>} : memref<64x512xf32, #tpu.memory_space<vmem>>, vector<1x16xf32>,
      %get3A_947 = vector.shape_cast %get3A_946 : vector<1x16xf32> to vector<16xf32>
      %gt3A_948 = arith.cmpf ogt, %get3A_947, %select_n3A_942 : vector<16xf32>
      %gt3A_949 = arith.cmpf ogt, %get3A_947, %select_n3A_941 : vector<16xf32>
      %gt3A_950 = arith.cmpf ogt, %get3A_947, %select_n3A_939 : vector<16xf32>
      %broadcast_in_dim3A_951 = arith.constant 49 : i32
      %broadcast_in_dim3A_952 = vector.broadcast %broadcast_in_dim3A_951 : i32 to vector<16xi32>
      %select_n3A_953 = arith.select %gt3A_949, %broadcast_in_dim3A_952, %select_n3A_935 : vector<16xi1>, vector<16xi32>
      %select_n3A_954 = arith.select %gt3A_948, %select_n3A_936, %select_n3A_953 : vector<16xi1>, vector<16xi32>
      %select_n3A_955 = arith.select %gt3A_948, %broadcast_in_dim3A_952, %select_n3A_936 : vector<16xi1>, vector<16xi32>
      %or3A_956 = arith.ori %gt3A_948, %gt3A_949 : vector<16xi1>
      %select_n3A_957 = arith.select %gt3A_950, %get3A_947, %select_n3A_939 : vector<16xi1>, vector<16xf32>
      %select_n3A_958 = arith.select %or3A_956, %select_n3A_941, %select_n3A_957 : vector<16xi1>, vector<16xf32>
      %select_n3A_959 = arith.select %gt3A_949, %get3A_947, %select_n3A_941 : vector<16xi1>, vector<16xf32>
      %select_n3A_960 = arith.select %gt3A_948, %select_n3A_942, %select_n3A_959 : vector<16xi1>, vector<16xf32>
      %select_n3A_961 = arith.select %gt3A_948, %get3A_947, %select_n3A_942 : vector<16xi1>, vector<16xf32>
      %get3A_962 = arith.constant 50 : i32
      %get3A_963 = arith.index_cast %get3A_962 : i32 to index
      %get3A_964 = arith.index_cast %mul3A_10 : i32 to index
      %get3A_965 = tpu.vector_load %arg9[%get3A_963, %get3A_964] {strides = array<i32>} : memref<64x512xf32, #tpu.memory_space<vmem>>, vector<1x16xf32>,
      %get3A_966 = vector.shape_cast %get3A_965 : vector<1x16xf32> to vector<16xf32>
      %gt3A_967 = arith.cmpf ogt, %get3A_966, %select_n3A_961 : vector<16xf32>
      %gt3A_968 = arith.cmpf ogt, %get3A_966, %select_n3A_960 : vector<16xf32>
      %gt3A_969 = arith.cmpf ogt, %get3A_966, %select_n3A_958 : vector<16xf32>
      %broadcast_in_dim3A_970 = arith.constant 50 : i32
      %broadcast_in_dim3A_971 = vector.broadcast %broadcast_in_dim3A_970 : i32 to vector<16xi32>
      %select_n3A_972 = arith.select %gt3A_968, %broadcast_in_dim3A_971, %select_n3A_954 : vector<16xi1>, vector<16xi32>
      %select_n3A_973 = arith.select %gt3A_967, %select_n3A_955, %select_n3A_972 : vector<16xi1>, vector<16xi32>
      %select_n3A_974 = arith.select %gt3A_967, %broadcast_in_dim3A_971, %select_n3A_955 : vector<16xi1>, vector<16xi32>
      %or3A_975 = arith.ori %gt3A_967, %gt3A_968 : vector<16xi1>
      %select_n3A_976 = arith.select %gt3A_969, %get3A_966, %select_n3A_958 : vector<16xi1>, vector<16xf32>
      %select_n3A_977 = arith.select %or3A_975, %select_n3A_960, %select_n3A_976 : vector<16xi1>, vector<16xf32>
      %select_n3A_978 = arith.select %gt3A_968, %get3A_966, %select_n3A_960 : vector<16xi1>, vector<16xf32>
      %select_n3A_979 = arith.select %gt3A_967, %select_n3A_961, %select_n3A_978 : vector<16xi1>, vector<16xf32>
      %select_n3A_980 = arith.select %gt3A_967, %get3A_966, %select_n3A_961 : vector<16xi1>, vector<16xf32>
      %get3A_981 = arith.constant 51 : i32
      %get3A_982 = arith.index_cast %get3A_981 : i32 to index
      %get3A_983 = arith.index_cast %mul3A_10 : i32 to index
      %get3A_984 = tpu.vector_load %arg9[%get3A_982, %get3A_983] {strides = array<i32>} : memref<64x512xf32, #tpu.memory_space<vmem>>, vector<1x16xf32>,
      %get3A_985 = vector.shape_cast %get3A_984 : vector<1x16xf32> to vector<16xf32>
      %gt3A_986 = arith.cmpf ogt, %get3A_985, %select_n3A_980 : vector<16xf32>
      %gt3A_987 = arith.cmpf ogt, %get3A_985, %select_n3A_979 : vector<16xf32>
      %gt3A_988 = arith.cmpf ogt, %get3A_985, %select_n3A_977 : vector<16xf32>
      %broadcast_in_dim3A_989 = arith.constant 51 : i32
      %broadcast_in_dim3A_990 = vector.broadcast %broadcast_in_dim3A_989 : i32 to vector<16xi32>
      %select_n3A_991 = arith.select %gt3A_987, %broadcast_in_dim3A_990, %select_n3A_973 : vector<16xi1>, vector<16xi32>
      %select_n3A_992 = arith.select %gt3A_986, %select_n3A_974, %select_n3A_991 : vector<16xi1>, vector<16xi32>
      %select_n3A_993 = arith.select %gt3A_986, %broadcast_in_dim3A_990, %select_n3A_974 : vector<16xi1>, vector<16xi32>
      %or3A_994 = arith.ori %gt3A_986, %gt3A_987 : vector<16xi1>
      %select_n3A_995 = arith.select %gt3A_988, %get3A_985, %select_n3A_977 : vector<16xi1>, vector<16xf32>
      %select_n3A_996 = arith.select %or3A_994, %select_n3A_979, %select_n3A_995 : vector<16xi1>, vector<16xf32>
      %select_n3A_997 = arith.select %gt3A_987, %get3A_985, %select_n3A_979 : vector<16xi1>, vector<16xf32>
      %select_n3A_998 = arith.select %gt3A_986, %select_n3A_980, %select_n3A_997 : vector<16xi1>, vector<16xf32>
      %select_n3A_999 = arith.select %gt3A_986, %get3A_985, %select_n3A_980 : vector<16xi1>, vector<16xf32>
      %get3A_1000 = arith.constant 52 : i32
      %get3A_1001 = arith.index_cast %get3A_1000 : i32 to index
      %get3A_1002 = arith.index_cast %mul3A_10 : i32 to index
      %get3A_1003 = tpu.vector_load %arg9[%get3A_1001, %get3A_1002] {strides = array<i32>} : memref<64x512xf32, #tpu.memory_space<vmem>>, vector<1x16xf32>,
      %get3A_1004 = vector.shape_cast %get3A_1003 : vector<1x16xf32> to vector<16xf32>
      %gt3A_1005 = arith.cmpf ogt, %get3A_1004, %select_n3A_999 : vector<16xf32>
      %gt3A_1006 = arith.cmpf ogt, %get3A_1004, %select_n3A_998 : vector<16xf32>
      %gt3A_1007 = arith.cmpf ogt, %get3A_1004, %select_n3A_996 : vector<16xf32>
      %broadcast_in_dim3A_1008 = arith.constant 52 : i32
      %broadcast_in_dim3A_1009 = vector.broadcast %broadcast_in_dim3A_1008 : i32 to vector<16xi32>
      %select_n3A_1010 = arith.select %gt3A_1006, %broadcast_in_dim3A_1009, %select_n3A_992 : vector<16xi1>, vector<16xi32>
      %select_n3A_1011 = arith.select %gt3A_1005, %select_n3A_993, %select_n3A_1010 : vector<16xi1>, vector<16xi32>
      %select_n3A_1012 = arith.select %gt3A_1005, %broadcast_in_dim3A_1009, %select_n3A_993 : vector<16xi1>, vector<16xi32>
      %or3A_1013 = arith.ori %gt3A_1005, %gt3A_1006 : vector<16xi1>
      %select_n3A_1014 = arith.select %gt3A_1007, %get3A_1004, %select_n3A_996 : vector<16xi1>, vector<16xf32>
      %select_n3A_1015 = arith.select %or3A_1013, %select_n3A_998, %select_n3A_1014 : vector<16xi1>, vector<16xf32>
      %select_n3A_1016 = arith.select %gt3A_1006, %get3A_1004, %select_n3A_998 : vector<16xi1>, vector<16xf32>
      %select_n3A_1017 = arith.select %gt3A_1005, %select_n3A_999, %select_n3A_1016 : vector<16xi1>, vector<16xf32>
      %select_n3A_1018 = arith.select %gt3A_1005, %get3A_1004, %select_n3A_999 : vector<16xi1>, vector<16xf32>
      %get3A_1019 = arith.constant 53 : i32
      %get3A_1020 = arith.index_cast %get3A_1019 : i32 to index
      %get3A_1021 = arith.index_cast %mul3A_10 : i32 to index
      %get3A_1022 = tpu.vector_load %arg9[%get3A_1020, %get3A_1021] {strides = array<i32>} : memref<64x512xf32, #tpu.memory_space<vmem>>, vector<1x16xf32>,
      %get3A_1023 = vector.shape_cast %get3A_1022 : vector<1x16xf32> to vector<16xf32>
      %gt3A_1024 = arith.cmpf ogt, %get3A_1023, %select_n3A_1018 : vector<16xf32>
      %gt3A_1025 = arith.cmpf ogt, %get3A_1023, %select_n3A_1017 : vector<16xf32>
      %gt3A_1026 = arith.cmpf ogt, %get3A_1023, %select_n3A_1015 : vector<16xf32>
      %broadcast_in_dim3A_1027 = arith.constant 53 : i32
      %broadcast_in_dim3A_1028 = vector.broadcast %broadcast_in_dim3A_1027 : i32 to vector<16xi32>
      %select_n3A_1029 = arith.select %gt3A_1025, %broadcast_in_dim3A_1028, %select_n3A_1011 : vector<16xi1>, vector<16xi32>
      %select_n3A_1030 = arith.select %gt3A_1024, %select_n3A_1012, %select_n3A_1029 : vector<16xi1>, vector<16xi32>
      %select_n3A_1031 = arith.select %gt3A_1024, %broadcast_in_dim3A_1028, %select_n3A_1012 : vector<16xi1>, vector<16xi32>
      %or3A_1032 = arith.ori %gt3A_1024, %gt3A_1025 : vector<16xi1>
      %select_n3A_1033 = arith.select %gt3A_1026, %get3A_1023, %select_n3A_1015 : vector<16xi1>, vector<16xf32>
      %select_n3A_1034 = arith.select %or3A_1032, %select_n3A_1017, %select_n3A_1033 : vector<16xi1>, vector<16xf32>
      %select_n3A_1035 = arith.select %gt3A_1025, %get3A_1023, %select_n3A_1017 : vector<16xi1>, vector<16xf32>
      %select_n3A_1036 = arith.select %gt3A_1024, %select_n3A_1018, %select_n3A_1035 : vector<16xi1>, vector<16xf32>
      %select_n3A_1037 = arith.select %gt3A_1024, %get3A_1023, %select_n3A_1018 : vector<16xi1>, vector<16xf32>
      %get3A_1038 = arith.constant 54 : i32
      %get3A_1039 = arith.index_cast %get3A_1038 : i32 to index
      %get3A_1040 = arith.index_cast %mul3A_10 : i32 to index
      %get3A_1041 = tpu.vector_load %arg9[%get3A_1039, %get3A_1040] {strides = array<i32>} : memref<64x512xf32, #tpu.memory_space<vmem>>, vector<1x16xf32>,
      %get3A_1042 = vector.shape_cast %get3A_1041 : vector<1x16xf32> to vector<16xf32>
      %gt3A_1043 = arith.cmpf ogt, %get3A_1042, %select_n3A_1037 : vector<16xf32>
      %gt3A_1044 = arith.cmpf ogt, %get3A_1042, %select_n3A_1036 : vector<16xf32>
      %gt3A_1045 = arith.cmpf ogt, %get3A_1042, %select_n3A_1034 : vector<16xf32>
      %broadcast_in_dim3A_1046 = arith.constant 54 : i32
      %broadcast_in_dim3A_1047 = vector.broadcast %broadcast_in_dim3A_1046 : i32 to vector<16xi32>
      %select_n3A_1048 = arith.select %gt3A_1044, %broadcast_in_dim3A_1047, %select_n3A_1030 : vector<16xi1>, vector<16xi32>
      %select_n3A_1049 = arith.select %gt3A_1043, %select_n3A_1031, %select_n3A_1048 : vector<16xi1>, vector<16xi32>
      %select_n3A_1050 = arith.select %gt3A_1043, %broadcast_in_dim3A_1047, %select_n3A_1031 : vector<16xi1>, vector<16xi32>
      %or3A_1051 = arith.ori %gt3A_1043, %gt3A_1044 : vector<16xi1>
      %select_n3A_1052 = arith.select %gt3A_1045, %get3A_1042, %select_n3A_1034 : vector<16xi1>, vector<16xf32>
      %select_n3A_1053 = arith.select %or3A_1051, %select_n3A_1036, %select_n3A_1052 : vector<16xi1>, vector<16xf32>
      %select_n3A_1054 = arith.select %gt3A_1044, %get3A_1042, %select_n3A_1036 : vector<16xi1>, vector<16xf32>
      %select_n3A_1055 = arith.select %gt3A_1043, %select_n3A_1037, %select_n3A_1054 : vector<16xi1>, vector<16xf32>
      %select_n3A_1056 = arith.select %gt3A_1043, %get3A_1042, %select_n3A_1037 : vector<16xi1>, vector<16xf32>
      %get3A_1057 = arith.constant 55 : i32
      %get3A_1058 = arith.index_cast %get3A_1057 : i32 to index
      %get3A_1059 = arith.index_cast %mul3A_10 : i32 to index
      %get3A_1060 = tpu.vector_load %arg9[%get3A_1058, %get3A_1059] {strides = array<i32>} : memref<64x512xf32, #tpu.memory_space<vmem>>, vector<1x16xf32>,
      %get3A_1061 = vector.shape_cast %get3A_1060 : vector<1x16xf32> to vector<16xf32>
      %gt3A_1062 = arith.cmpf ogt, %get3A_1061, %select_n3A_1056 : vector<16xf32>
      %gt3A_1063 = arith.cmpf ogt, %get3A_1061, %select_n3A_1055 : vector<16xf32>
      %gt3A_1064 = arith.cmpf ogt, %get3A_1061, %select_n3A_1053 : vector<16xf32>
      %broadcast_in_dim3A_1065 = arith.constant 55 : i32
      %broadcast_in_dim3A_1066 = vector.broadcast %broadcast_in_dim3A_1065 : i32 to vector<16xi32>
      %select_n3A_1067 = arith.select %gt3A_1063, %broadcast_in_dim3A_1066, %select_n3A_1049 : vector<16xi1>, vector<16xi32>
      %select_n3A_1068 = arith.select %gt3A_1062, %select_n3A_1050, %select_n3A_1067 : vector<16xi1>, vector<16xi32>
      %select_n3A_1069 = arith.select %gt3A_1062, %broadcast_in_dim3A_1066, %select_n3A_1050 : vector<16xi1>, vector<16xi32>
      %or3A_1070 = arith.ori %gt3A_1062, %gt3A_1063 : vector<16xi1>
      %select_n3A_1071 = arith.select %gt3A_1064, %get3A_1061, %select_n3A_1053 : vector<16xi1>, vector<16xf32>
      %select_n3A_1072 = arith.select %or3A_1070, %select_n3A_1055, %select_n3A_1071 : vector<16xi1>, vector<16xf32>
      %select_n3A_1073 = arith.select %gt3A_1063, %get3A_1061, %select_n3A_1055 : vector<16xi1>, vector<16xf32>
      %select_n3A_1074 = arith.select %gt3A_1062, %select_n3A_1056, %select_n3A_1073 : vector<16xi1>, vector<16xf32>
      %select_n3A_1075 = arith.select %gt3A_1062, %get3A_1061, %select_n3A_1056 : vector<16xi1>, vector<16xf32>
      %get3A_1076 = arith.constant 56 : i32
      %get3A_1077 = arith.index_cast %get3A_1076 : i32 to index
      %get3A_1078 = arith.index_cast %mul3A_10 : i32 to index
      %get3A_1079 = tpu.vector_load %arg9[%get3A_1077, %get3A_1078] {strides = array<i32>} : memref<64x512xf32, #tpu.memory_space<vmem>>, vector<1x16xf32>,
      %get3A_1080 = vector.shape_cast %get3A_1079 : vector<1x16xf32> to vector<16xf32>
      %gt3A_1081 = arith.cmpf ogt, %get3A_1080, %select_n3A_1075 : vector<16xf32>
      %gt3A_1082 = arith.cmpf ogt, %get3A_1080, %select_n3A_1074 : vector<16xf32>
      %gt3A_1083 = arith.cmpf ogt, %get3A_1080, %select_n3A_1072 : vector<16xf32>
      %broadcast_in_dim3A_1084 = arith.constant 56 : i32
      %broadcast_in_dim3A_1085 = vector.broadcast %broadcast_in_dim3A_1084 : i32 to vector<16xi32>
      %select_n3A_1086 = arith.select %gt3A_1082, %broadcast_in_dim3A_1085, %select_n3A_1068 : vector<16xi1>, vector<16xi32>
      %select_n3A_1087 = arith.select %gt3A_1081, %select_n3A_1069, %select_n3A_1086 : vector<16xi1>, vector<16xi32>
      %select_n3A_1088 = arith.select %gt3A_1081, %broadcast_in_dim3A_1085, %select_n3A_1069 : vector<16xi1>, vector<16xi32>
      %or3A_1089 = arith.ori %gt3A_1081, %gt3A_1082 : vector<16xi1>
      %select_n3A_1090 = arith.select %gt3A_1083, %get3A_1080, %select_n3A_1072 : vector<16xi1>, vector<16xf32>
      %select_n3A_1091 = arith.select %or3A_1089, %select_n3A_1074, %select_n3A_1090 : vector<16xi1>, vector<16xf32>
      %select_n3A_1092 = arith.select %gt3A_1082, %get3A_1080, %select_n3A_1074 : vector<16xi1>, vector<16xf32>
      %select_n3A_1093 = arith.select %gt3A_1081, %select_n3A_1075, %select_n3A_1092 : vector<16xi1>, vector<16xf32>
      %select_n3A_1094 = arith.select %gt3A_1081, %get3A_1080, %select_n3A_1075 : vector<16xi1>, vector<16xf32>
      %get3A_1095 = arith.constant 57 : i32
      %get3A_1096 = arith.index_cast %get3A_1095 : i32 to index
      %get3A_1097 = arith.index_cast %mul3A_10 : i32 to index
      %get3A_1098 = tpu.vector_load %arg9[%get3A_1096, %get3A_1097] {strides = array<i32>} : memref<64x512xf32, #tpu.memory_space<vmem>>, vector<1x16xf32>,
      %get3A_1099 = vector.shape_cast %get3A_1098 : vector<1x16xf32> to vector<16xf32>
      %gt3A_1100 = arith.cmpf ogt, %get3A_1099, %select_n3A_1094 : vector<16xf32>
      %gt3A_1101 = arith.cmpf ogt, %get3A_1099, %select_n3A_1093 : vector<16xf32>
      %gt3A_1102 = arith.cmpf ogt, %get3A_1099, %select_n3A_1091 : vector<16xf32>
      %broadcast_in_dim3A_1103 = arith.constant 57 : i32
      %broadcast_in_dim3A_1104 = vector.broadcast %broadcast_in_dim3A_1103 : i32 to vector<16xi32>
      %select_n3A_1105 = arith.select %gt3A_1101, %broadcast_in_dim3A_1104, %select_n3A_1087 : vector<16xi1>, vector<16xi32>
      %select_n3A_1106 = arith.select %gt3A_1100, %select_n3A_1088, %select_n3A_1105 : vector<16xi1>, vector<16xi32>
      %select_n3A_1107 = arith.select %gt3A_1100, %broadcast_in_dim3A_1104, %select_n3A_1088 : vector<16xi1>, vector<16xi32>
      %or3A_1108 = arith.ori %gt3A_1100, %gt3A_1101 : vector<16xi1>
      %select_n3A_1109 = arith.select %gt3A_1102, %get3A_1099, %select_n3A_1091 : vector<16xi1>, vector<16xf32>
      %select_n3A_1110 = arith.select %or3A_1108, %select_n3A_1093, %select_n3A_1109 : vector<16xi1>, vector<16xf32>
      %select_n3A_1111 = arith.select %gt3A_1101, %get3A_1099, %select_n3A_1093 : vector<16xi1>, vector<16xf32>
      %select_n3A_1112 = arith.select %gt3A_1100, %select_n3A_1094, %select_n3A_1111 : vector<16xi1>, vector<16xf32>
      %select_n3A_1113 = arith.select %gt3A_1100, %get3A_1099, %select_n3A_1094 : vector<16xi1>, vector<16xf32>
      %get3A_1114 = arith.constant 58 : i32
      %get3A_1115 = arith.index_cast %get3A_1114 : i32 to index
      %get3A_1116 = arith.index_cast %mul3A_10 : i32 to index
      %get3A_1117 = tpu.vector_load %arg9[%get3A_1115, %get3A_1116] {strides = array<i32>} : memref<64x512xf32, #tpu.memory_space<vmem>>, vector<1x16xf32>,
      %get3A_1118 = vector.shape_cast %get3A_1117 : vector<1x16xf32> to vector<16xf32>
      %gt3A_1119 = arith.cmpf ogt, %get3A_1118, %select_n3A_1113 : vector<16xf32>
      %gt3A_1120 = arith.cmpf ogt, %get3A_1118, %select_n3A_1112 : vector<16xf32>
      %gt3A_1121 = arith.cmpf ogt, %get3A_1118, %select_n3A_1110 : vector<16xf32>
      %broadcast_in_dim3A_1122 = arith.constant 58 : i32
      %broadcast_in_dim3A_1123 = vector.broadcast %broadcast_in_dim3A_1122 : i32 to vector<16xi32>
      %select_n3A_1124 = arith.select %gt3A_1120, %broadcast_in_dim3A_1123, %select_n3A_1106 : vector<16xi1>, vector<16xi32>
      %select_n3A_1125 = arith.select %gt3A_1119, %select_n3A_1107, %select_n3A_1124 : vector<16xi1>, vector<16xi32>
      %select_n3A_1126 = arith.select %gt3A_1119, %broadcast_in_dim3A_1123, %select_n3A_1107 : vector<16xi1>, vector<16xi32>
      %or3A_1127 = arith.ori %gt3A_1119, %gt3A_1120 : vector<16xi1>
      %select_n3A_1128 = arith.select %gt3A_1121, %get3A_1118, %select_n3A_1110 : vector<16xi1>, vector<16xf32>
      %select_n3A_1129 = arith.select %or3A_1127, %select_n3A_1112, %select_n3A_1128 : vector<16xi1>, vector<16xf32>
      %select_n3A_1130 = arith.select %gt3A_1120, %get3A_1118, %select_n3A_1112 : vector<16xi1>, vector<16xf32>
      %select_n3A_1131 = arith.select %gt3A_1119, %select_n3A_1113, %select_n3A_1130 : vector<16xi1>, vector<16xf32>
      %select_n3A_1132 = arith.select %gt3A_1119, %get3A_1118, %select_n3A_1113 : vector<16xi1>, vector<16xf32>
      %get3A_1133 = arith.constant 59 : i32
      %get3A_1134 = arith.index_cast %get3A_1133 : i32 to index
      %get3A_1135 = arith.index_cast %mul3A_10 : i32 to index
      %get3A_1136 = tpu.vector_load %arg9[%get3A_1134, %get3A_1135] {strides = array<i32>} : memref<64x512xf32, #tpu.memory_space<vmem>>, vector<1x16xf32>,
      %get3A_1137 = vector.shape_cast %get3A_1136 : vector<1x16xf32> to vector<16xf32>
      %gt3A_1138 = arith.cmpf ogt, %get3A_1137, %select_n3A_1132 : vector<16xf32>
      %gt3A_1139 = arith.cmpf ogt, %get3A_1137, %select_n3A_1131 : vector<16xf32>
      %gt3A_1140 = arith.cmpf ogt, %get3A_1137, %select_n3A_1129 : vector<16xf32>
      %broadcast_in_dim3A_1141 = arith.constant 59 : i32
      %broadcast_in_dim3A_1142 = vector.broadcast %broadcast_in_dim3A_1141 : i32 to vector<16xi32>
      %select_n3A_1143 = arith.select %gt3A_1139, %broadcast_in_dim3A_1142, %select_n3A_1125 : vector<16xi1>, vector<16xi32>
      %select_n3A_1144 = arith.select %gt3A_1138, %select_n3A_1126, %select_n3A_1143 : vector<16xi1>, vector<16xi32>
      %select_n3A_1145 = arith.select %gt3A_1138, %broadcast_in_dim3A_1142, %select_n3A_1126 : vector<16xi1>, vector<16xi32>
      %or3A_1146 = arith.ori %gt3A_1138, %gt3A_1139 : vector<16xi1>
      %select_n3A_1147 = arith.select %gt3A_1140, %get3A_1137, %select_n3A_1129 : vector<16xi1>, vector<16xf32>
      %select_n3A_1148 = arith.select %or3A_1146, %select_n3A_1131, %select_n3A_1147 : vector<16xi1>, vector<16xf32>
      %select_n3A_1149 = arith.select %gt3A_1139, %get3A_1137, %select_n3A_1131 : vector<16xi1>, vector<16xf32>
      %select_n3A_1150 = arith.select %gt3A_1138, %select_n3A_1132, %select_n3A_1149 : vector<16xi1>, vector<16xf32>
      %select_n3A_1151 = arith.select %gt3A_1138, %get3A_1137, %select_n3A_1132 : vector<16xi1>, vector<16xf32>
      %get3A_1152 = arith.constant 60 : i32
      %get3A_1153 = arith.index_cast %get3A_1152 : i32 to index
      %get3A_1154 = arith.index_cast %mul3A_10 : i32 to index
      %get3A_1155 = tpu.vector_load %arg9[%get3A_1153, %get3A_1154] {strides = array<i32>} : memref<64x512xf32, #tpu.memory_space<vmem>>, vector<1x16xf32>,
      %get3A_1156 = vector.shape_cast %get3A_1155 : vector<1x16xf32> to vector<16xf32>
      %gt3A_1157 = arith.cmpf ogt, %get3A_1156, %select_n3A_1151 : vector<16xf32>
      %gt3A_1158 = arith.cmpf ogt, %get3A_1156, %select_n3A_1150 : vector<16xf32>
      %gt3A_1159 = arith.cmpf ogt, %get3A_1156, %select_n3A_1148 : vector<16xf32>
      %broadcast_in_dim3A_1160 = arith.constant 60 : i32
      %broadcast_in_dim3A_1161 = vector.broadcast %broadcast_in_dim3A_1160 : i32 to vector<16xi32>
      %select_n3A_1162 = arith.select %gt3A_1158, %broadcast_in_dim3A_1161, %select_n3A_1144 : vector<16xi1>, vector<16xi32>
      %select_n3A_1163 = arith.select %gt3A_1157, %select_n3A_1145, %select_n3A_1162 : vector<16xi1>, vector<16xi32>
      %select_n3A_1164 = arith.select %gt3A_1157, %broadcast_in_dim3A_1161, %select_n3A_1145 : vector<16xi1>, vector<16xi32>
      %or3A_1165 = arith.ori %gt3A_1157, %gt3A_1158 : vector<16xi1>
      %select_n3A_1166 = arith.select %gt3A_1159, %get3A_1156, %select_n3A_1148 : vector<16xi1>, vector<16xf32>
      %select_n3A_1167 = arith.select %or3A_1165, %select_n3A_1150, %select_n3A_1166 : vector<16xi1>, vector<16xf32>
      %select_n3A_1168 = arith.select %gt3A_1158, %get3A_1156, %select_n3A_1150 : vector<16xi1>, vector<16xf32>
      %select_n3A_1169 = arith.select %gt3A_1157, %select_n3A_1151, %select_n3A_1168 : vector<16xi1>, vector<16xf32>
      %select_n3A_1170 = arith.select %gt3A_1157, %get3A_1156, %select_n3A_1151 : vector<16xi1>, vector<16xf32>
      %get3A_1171 = arith.constant 61 : i32
      %get3A_1172 = arith.index_cast %get3A_1171 : i32 to index
      %get3A_1173 = arith.index_cast %mul3A_10 : i32 to index
      %get3A_1174 = tpu.vector_load %arg9[%get3A_1172, %get3A_1173] {strides = array<i32>} : memref<64x512xf32, #tpu.memory_space<vmem>>, vector<1x16xf32>,
      %get3A_1175 = vector.shape_cast %get3A_1174 : vector<1x16xf32> to vector<16xf32>
      %gt3A_1176 = arith.cmpf ogt, %get3A_1175, %select_n3A_1170 : vector<16xf32>
      %gt3A_1177 = arith.cmpf ogt, %get3A_1175, %select_n3A_1169 : vector<16xf32>
      %gt3A_1178 = arith.cmpf ogt, %get3A_1175, %select_n3A_1167 : vector<16xf32>
      %broadcast_in_dim3A_1179 = arith.constant 61 : i32
      %broadcast_in_dim3A_1180 = vector.broadcast %broadcast_in_dim3A_1179 : i32 to vector<16xi32>
      %select_n3A_1181 = arith.select %gt3A_1177, %broadcast_in_dim3A_1180, %select_n3A_1163 : vector<16xi1>, vector<16xi32>
      %select_n3A_1182 = arith.select %gt3A_1176, %select_n3A_1164, %select_n3A_1181 : vector<16xi1>, vector<16xi32>
      %select_n3A_1183 = arith.select %gt3A_1176, %broadcast_in_dim3A_1180, %select_n3A_1164 : vector<16xi1>, vector<16xi32>
      %or3A_1184 = arith.ori %gt3A_1176, %gt3A_1177 : vector<16xi1>
      %select_n3A_1185 = arith.select %gt3A_1178, %get3A_1175, %select_n3A_1167 : vector<16xi1>, vector<16xf32>
      %select_n3A_1186 = arith.select %or3A_1184, %select_n3A_1169, %select_n3A_1185 : vector<16xi1>, vector<16xf32>
      %select_n3A_1187 = arith.select %gt3A_1177, %get3A_1175, %select_n3A_1169 : vector<16xi1>, vector<16xf32>
      %select_n3A_1188 = arith.select %gt3A_1176, %select_n3A_1170, %select_n3A_1187 : vector<16xi1>, vector<16xf32>
      %select_n3A_1189 = arith.select %gt3A_1176, %get3A_1175, %select_n3A_1170 : vector<16xi1>, vector<16xf32>
      %get3A_1190 = arith.constant 62 : i32
      %get3A_1191 = arith.index_cast %get3A_1190 : i32 to index
      %get3A_1192 = arith.index_cast %mul3A_10 : i32 to index
      %get3A_1193 = tpu.vector_load %arg9[%get3A_1191, %get3A_1192] {strides = array<i32>} : memref<64x512xf32, #tpu.memory_space<vmem>>, vector<1x16xf32>,
      %get3A_1194 = vector.shape_cast %get3A_1193 : vector<1x16xf32> to vector<16xf32>
      %gt3A_1195 = arith.cmpf ogt, %get3A_1194, %select_n3A_1189 : vector<16xf32>
      %gt3A_1196 = arith.cmpf ogt, %get3A_1194, %select_n3A_1188 : vector<16xf32>
      %gt3A_1197 = arith.cmpf ogt, %get3A_1194, %select_n3A_1186 : vector<16xf32>
      %broadcast_in_dim3A_1198 = arith.constant 62 : i32
      %broadcast_in_dim3A_1199 = vector.broadcast %broadcast_in_dim3A_1198 : i32 to vector<16xi32>
      %select_n3A_1200 = arith.select %gt3A_1196, %broadcast_in_dim3A_1199, %select_n3A_1182 : vector<16xi1>, vector<16xi32>
      %select_n3A_1201 = arith.select %gt3A_1195, %select_n3A_1183, %select_n3A_1200 : vector<16xi1>, vector<16xi32>
      %select_n3A_1202 = arith.select %gt3A_1195, %broadcast_in_dim3A_1199, %select_n3A_1183 : vector<16xi1>, vector<16xi32>
      %or3A_1203 = arith.ori %gt3A_1195, %gt3A_1196 : vector<16xi1>
      %select_n3A_1204 = arith.select %gt3A_1197, %get3A_1194, %select_n3A_1186 : vector<16xi1>, vector<16xf32>
      %select_n3A_1205 = arith.select %or3A_1203, %select_n3A_1188, %select_n3A_1204 : vector<16xi1>, vector<16xf32>
      %select_n3A_1206 = arith.select %gt3A_1196, %get3A_1194, %select_n3A_1188 : vector<16xi1>, vector<16xf32>
      %select_n3A_1207 = arith.select %gt3A_1195, %select_n3A_1189, %select_n3A_1206 : vector<16xi1>, vector<16xf32>
      %select_n3A_1208 = arith.select %gt3A_1195, %get3A_1194, %select_n3A_1189 : vector<16xi1>, vector<16xf32>
      %get3A_1209 = arith.constant 63 : i32
      %get3A_1210 = arith.index_cast %get3A_1209 : i32 to index
      %get3A_1211 = arith.index_cast %mul3A_10 : i32 to index
      %get3A_1212 = tpu.vector_load %arg9[%get3A_1210, %get3A_1211] {strides = array<i32>} : memref<64x512xf32, #tpu.memory_space<vmem>>, vector<1x16xf32>,
      %get3A_1213 = vector.shape_cast %get3A_1212 : vector<1x16xf32> to vector<16xf32>
      %gt3A_1214 = arith.cmpf ogt, %get3A_1213, %select_n3A_1208 : vector<16xf32>
      %gt3A_1215 = arith.cmpf ogt, %get3A_1213, %select_n3A_1207 : vector<16xf32>
      %gt3A_1216 = arith.cmpf ogt, %get3A_1213, %select_n3A_1205 : vector<16xf32>
      %broadcast_in_dim3A_1217 = arith.constant 63 : i32
      %broadcast_in_dim3A_1218 = vector.broadcast %broadcast_in_dim3A_1217 : i32 to vector<16xi32>
      %select_n3A_1219 = arith.select %gt3A_1215, %broadcast_in_dim3A_1218, %select_n3A_1201 : vector<16xi1>, vector<16xi32>
      %select_n3A_1220 = arith.select %gt3A_1214, %select_n3A_1202, %select_n3A_1219 : vector<16xi1>, vector<16xi32>
      %select_n3A_1221 = arith.select %gt3A_1214, %broadcast_in_dim3A_1218, %select_n3A_1202 : vector<16xi1>, vector<16xi32>
      %or3A_1222 = arith.ori %gt3A_1214, %gt3A_1215 : vector<16xi1>
      %select_n3A_1223 = arith.select %gt3A_1216, %get3A_1213, %select_n3A_1205 : vector<16xi1>, vector<16xf32>
      %select_n3A_1224 = arith.select %or3A_1222, %select_n3A_1207, %select_n3A_1223 : vector<16xi1>, vector<16xf32>
      %select_n3A_1225 = arith.select %gt3A_1215, %get3A_1213, %select_n3A_1207 : vector<16xi1>, vector<16xf32>
      %select_n3A_1226 = arith.select %gt3A_1214, %select_n3A_1208, %select_n3A_1225 : vector<16xi1>, vector<16xf32>
      %select_n3A_1227 = arith.select %gt3A_1214, %get3A_1213, %select_n3A_1208 : vector<16xi1>, vector<16xf32>
      %sub3A = arith.subf %select_n3A_1226, %select_n3A_1227 : vector<16xf32>
      %exp3A = math.exp %sub3A : vector<16xf32>
      %add3A_1228 = arith.constant 1.000000e+00 : f32
      %add3A_1229 = vector.broadcast %add3A_1228 : f32 to vector<16xf32>
      %add3A_1230 = arith.addf %add3A_1229, %exp3A : vector<16xf32>
      %div3A = arith.constant 1.000000e+00 : f32
      %div3A_1231 = vector.broadcast %div3A : f32 to vector<16xf32>
      %div3A_1232 = arith.divf %div3A_1231, %add3A_1230 : vector<16xf32>
      %swap3A = arith.index_cast %mul3A_10 : i32 to index
      %swap3A_1233 = tpu.vector_load %arg10[%swap3A] {strides = array<i32>} : memref<512xf32, #tpu.memory_space<vmem>>, vector<16xf32>,
      %swap3A_1234 = vector.shape_cast %swap3A_1233 : vector<16xf32> to vector<16xf32>
      %swap3A_1235 = vector.shape_cast %div3A_1232 : vector<16xf32> to vector<16xf32>
      tpu.vector_store %arg10[%swap3A], %swap3A_1235 {strides = array<i32>} : memref<512xf32, #tpu.memory_space<vmem>>, vector<16xf32>,
      %mul3A_1236 = arith.mulf %exp3A, %div3A_1232 : vector<16xf32>
      %swap3A_1237 = arith.index_cast %mul3A_10 : i32 to index
      %swap3A_1238 = tpu.vector_load %arg11[%swap3A_1237] {strides = array<i32>} : memref<512xf32, #tpu.memory_space<vmem>>, vector<16xf32>,
      %swap3A_1239 = vector.shape_cast %swap3A_1238 : vector<16xf32> to vector<16xf32>
      %swap3A_1240 = vector.shape_cast %mul3A_1236 : vector<16xf32> to vector<16xf32>
      tpu.vector_store %arg11[%swap3A_1237], %swap3A_1240 {strides = array<i32>} : memref<512xf32, #tpu.memory_space<vmem>>, vector<16xf32>,
      %swap3A_1241 = arith.index_cast %mul3A_10 : i32 to index
      %swap3A_1242 = tpu.vector_load %arg12[%swap3A_1241] {strides = array<i32>} : memref<512xi32, #tpu.memory_space<vmem>>, vector<16xi32>,
      %swap3A_1243 = vector.shape_cast %swap3A_1242 : vector<16xi32> to vector<16xi32>
      %swap3A_1244 = vector.shape_cast %select_n3A_1221 : vector<16xi32> to vector<16xi32>
      tpu.vector_store %arg12[%swap3A_1241], %swap3A_1244 {strides = array<i32>} : memref<512xi32, #tpu.memory_space<vmem>>, vector<16xi32>,
      %swap3A_1245 = arith.index_cast %mul3A_10 : i32 to index
      %swap3A_1246 = tpu.vector_load %arg13[%swap3A_1245] {strides = array<i32>} : memref<512xi32, #tpu.memory_space<vmem>>, vector<16xi32>,
      %swap3A_1247 = vector.shape_cast %swap3A_1246 : vector<16xi32> to vector<16xi32>
      %swap3A_1248 = vector.shape_cast %select_n3A_1220 : vector<16xi32> to vector<16xi32>
      tpu.vector_store %arg13[%swap3A_1245], %swap3A_1248 {strides = array<i32>} : memref<512xi32, #tpu.memory_space<vmem>>, vector<16xi32>,
      %swap3A_1249 = arith.index_cast %mul3A_10 : i32 to index
      %swap3A_1250 = tpu.vector_load %arg14[%swap3A_1249] {strides = array<i32>} : memref<512xf32, #tpu.memory_space<vmem>>, vector<16xf32>,
      %swap3A_1251 = vector.shape_cast %swap3A_1250 : vector<16xf32> to vector<16xf32>
      %swap3A_1252 = vector.shape_cast %select_n3A_1226 : vector<16xf32> to vector<16xf32>
      tpu.vector_store %arg14[%swap3A_1249], %swap3A_1252 {strides = array<i32>} : memref<512xf32, #tpu.memory_space<vmem>>, vector<16xf32>,
      %swap3A_1253 = arith.index_cast %mul3A_10 : i32 to index
      %swap3A_1254 = tpu.vector_load %arg15[%swap3A_1253] {strides = array<i32>} : memref<512xf32, #tpu.memory_space<vmem>>, vector<16xf32>,
      %swap3A_1255 = vector.shape_cast %swap3A_1254 : vector<16xf32> to vector<16xf32>
      %swap3A_1256 = vector.shape_cast %select_n3A_1224 : vector<16xf32> to vector<16xf32>
      tpu.vector_store %arg15[%swap3A_1253], %swap3A_1256 {strides = array<i32>} : memref<512xf32, #tpu.memory_space<vmem>>, vector<16xf32>,
    }
    %scan3A_7 = arith.constant 32 : i32
    "tpu.region"() ({
      %run_scoped3A = tpu.sem_alloc : memref<!tpu.dma_semaphore, #tpu.memory_space<semaphore_mem>>
      %dma_start3A = tpu.memref_slice %arg3[%mul3A_2] : memref<16384xf32, #tpu.memory_space<hbm>> -> memref<512xf32, #tpu.memory_space<hbm>>
      %dma_start3A_8 = tpu.memref_slice %arg3[%mul3A_2] : memref<16384xf32, #tpu.memory_space<hbm>> -> memref<512xf32, #tpu.memory_space<hbm>>
      tpu.enqueue_dma source(%arg10 : memref<512xf32, #tpu.memory_space<vmem>>) target(%dma_start3A_8 : memref<512xf32, #tpu.memory_space<hbm>>) target_semaphore(%run_scoped3A : memref<!tpu.dma_semaphore, #tpu.memory_space<semaphore_mem>>)
      %dma_wait3A = tpu.memref_slice %arg3[%mul3A_2] : memref<16384xf32, #tpu.memory_space<hbm>> -> memref<512xf32, #tpu.memory_space<hbm>>
      %dma_wait3A_9 = tpu.memref_slice %arg3[%mul3A_2] : memref<16384xf32, #tpu.memory_space<hbm>> -> memref<512xf32, #tpu.memory_space<hbm>>
      tpu.wait_dma2 semaphore(%run_scoped3A : memref<!tpu.dma_semaphore, #tpu.memory_space<semaphore_mem>>) src(%arg10 : memref<512xf32, #tpu.memory_space<vmem>>) dst(%dma_wait3A_9 : memref<512xf32, #tpu.memory_space<hbm>>)
      tpu.yield
    }) : () -> ()
    "tpu.region"() ({
      %run_scoped3A = tpu.sem_alloc : memref<!tpu.dma_semaphore, #tpu.memory_space<semaphore_mem>>
      %dma_start3A = tpu.memref_slice %arg4[%mul3A_2] : memref<16384xf32, #tpu.memory_space<hbm>> -> memref<512xf32, #tpu.memory_space<hbm>>
      %dma_start3A_8 = tpu.memref_slice %arg4[%mul3A_2] : memref<16384xf32, #tpu.memory_space<hbm>> -> memref<512xf32, #tpu.memory_space<hbm>>
      tpu.enqueue_dma source(%arg11 : memref<512xf32, #tpu.memory_space<vmem>>) target(%dma_start3A_8 : memref<512xf32, #tpu.memory_space<hbm>>) target_semaphore(%run_scoped3A : memref<!tpu.dma_semaphore, #tpu.memory_space<semaphore_mem>>)
      %dma_wait3A = tpu.memref_slice %arg4[%mul3A_2] : memref<16384xf32, #tpu.memory_space<hbm>> -> memref<512xf32, #tpu.memory_space<hbm>>
      %dma_wait3A_9 = tpu.memref_slice %arg4[%mul3A_2] : memref<16384xf32, #tpu.memory_space<hbm>> -> memref<512xf32, #tpu.memory_space<hbm>>
      tpu.wait_dma2 semaphore(%run_scoped3A : memref<!tpu.dma_semaphore, #tpu.memory_space<semaphore_mem>>) src(%arg11 : memref<512xf32, #tpu.memory_space<vmem>>) dst(%dma_wait3A_9 : memref<512xf32, #tpu.memory_space<hbm>>)
      tpu.yield
    }) : () -> ()
    "tpu.region"() ({
      %run_scoped3A = tpu.sem_alloc : memref<!tpu.dma_semaphore, #tpu.memory_space<semaphore_mem>>
      %dma_start3A = tpu.memref_slice %arg5[%mul3A_2] : memref<16384xi32, #tpu.memory_space<hbm>> -> memref<512xi32, #tpu.memory_space<hbm>>
      %dma_start3A_8 = tpu.memref_slice %arg5[%mul3A_2] : memref<16384xi32, #tpu.memory_space<hbm>> -> memref<512xi32, #tpu.memory_space<hbm>>
      tpu.enqueue_dma source(%arg12 : memref<512xi32, #tpu.memory_space<vmem>>) target(%dma_start3A_8 : memref<512xi32, #tpu.memory_space<hbm>>) target_semaphore(%run_scoped3A : memref<!tpu.dma_semaphore, #tpu.memory_space<semaphore_mem>>)
      %dma_wait3A = tpu.memref_slice %arg5[%mul3A_2] : memref<16384xi32, #tpu.memory_space<hbm>> -> memref<512xi32, #tpu.memory_space<hbm>>
      %dma_wait3A_9 = tpu.memref_slice %arg5[%mul3A_2] : memref<16384xi32, #tpu.memory_space<hbm>> -> memref<512xi32, #tpu.memory_space<hbm>>
      tpu.wait_dma2 semaphore(%run_scoped3A : memref<!tpu.dma_semaphore, #tpu.memory_space<semaphore_mem>>) src(%arg12 : memref<512xi32, #tpu.memory_space<vmem>>) dst(%dma_wait3A_9 : memref<512xi32, #tpu.memory_space<hbm>>)
      tpu.yield
    }) : () -> ()
    "tpu.region"() ({
      %run_scoped3A = tpu.sem_alloc : memref<!tpu.dma_semaphore, #tpu.memory_space<semaphore_mem>>
      %dma_start3A = tpu.memref_slice %arg6[%mul3A_2] : memref<16384xi32, #tpu.memory_space<hbm>> -> memref<512xi32, #tpu.memory_space<hbm>>
      %dma_start3A_8 = tpu.memref_slice %arg6[%mul3A_2] : memref<16384xi32, #tpu.memory_space<hbm>> -> memref<512xi32, #tpu.memory_space<hbm>>
      tpu.enqueue_dma source(%arg13 : memref<512xi32, #tpu.memory_space<vmem>>) target(%dma_start3A_8 : memref<512xi32, #tpu.memory_space<hbm>>) target_semaphore(%run_scoped3A : memref<!tpu.dma_semaphore, #tpu.memory_space<semaphore_mem>>)
      %dma_wait3A = tpu.memref_slice %arg6[%mul3A_2] : memref<16384xi32, #tpu.memory_space<hbm>> -> memref<512xi32, #tpu.memory_space<hbm>>
      %dma_wait3A_9 = tpu.memref_slice %arg6[%mul3A_2] : memref<16384xi32, #tpu.memory_space<hbm>> -> memref<512xi32, #tpu.memory_space<hbm>>
      tpu.wait_dma2 semaphore(%run_scoped3A : memref<!tpu.dma_semaphore, #tpu.memory_space<semaphore_mem>>) src(%arg13 : memref<512xi32, #tpu.memory_space<vmem>>) dst(%dma_wait3A_9 : memref<512xi32, #tpu.memory_space<hbm>>)
      tpu.yield
    }) : () -> ()
    "tpu.region"() ({
      %run_scoped3A = tpu.sem_alloc : memref<!tpu.dma_semaphore, #tpu.memory_space<semaphore_mem>>
      %dma_start3A = tpu.memref_slice %arg7[%mul3A_2] : memref<16384xf32, #tpu.memory_space<hbm>> -> memref<512xf32, #tpu.memory_space<hbm>>
      %dma_start3A_8 = tpu.memref_slice %arg7[%mul3A_2] : memref<16384xf32, #tpu.memory_space<hbm>> -> memref<512xf32, #tpu.memory_space<hbm>>
      tpu.enqueue_dma source(%arg14 : memref<512xf32, #tpu.memory_space<vmem>>) target(%dma_start3A_8 : memref<512xf32, #tpu.memory_space<hbm>>) target_semaphore(%run_scoped3A : memref<!tpu.dma_semaphore, #tpu.memory_space<semaphore_mem>>)
      %dma_wait3A = tpu.memref_slice %arg7[%mul3A_2] : memref<16384xf32, #tpu.memory_space<hbm>> -> memref<512xf32, #tpu.memory_space<hbm>>
      %dma_wait3A_9 = tpu.memref_slice %arg7[%mul3A_2] : memref<16384xf32, #tpu.memory_space<hbm>> -> memref<512xf32, #tpu.memory_space<hbm>>
      tpu.wait_dma2 semaphore(%run_scoped3A : memref<!tpu.dma_semaphore, #tpu.memory_space<semaphore_mem>>) src(%arg14 : memref<512xf32, #tpu.memory_space<vmem>>) dst(%dma_wait3A_9 : memref<512xf32, #tpu.memory_space<hbm>>)
      tpu.yield
    }) : () -> ()
    "tpu.region"() ({
      %run_scoped3A = tpu.sem_alloc : memref<!tpu.dma_semaphore, #tpu.memory_space<semaphore_mem>>
      %dma_start3A = tpu.memref_slice %arg8[%mul3A_2] : memref<16384xf32, #tpu.memory_space<hbm>> -> memref<512xf32, #tpu.memory_space<hbm>>
      %dma_start3A_8 = tpu.memref_slice %arg8[%mul3A_2] : memref<16384xf32, #tpu.memory_space<hbm>> -> memref<512xf32, #tpu.memory_space<hbm>>
      tpu.enqueue_dma source(%arg15 : memref<512xf32, #tpu.memory_space<vmem>>) target(%dma_start3A_8 : memref<512xf32, #tpu.memory_space<hbm>>) target_semaphore(%run_scoped3A : memref<!tpu.dma_semaphore, #tpu.memory_space<semaphore_mem>>)
      %dma_wait3A = tpu.memref_slice %arg8[%mul3A_2] : memref<16384xf32, #tpu.memory_space<hbm>> -> memref<512xf32, #tpu.memory_space<hbm>>
      %dma_wait3A_9 = tpu.memref_slice %arg8[%mul3A_2] : memref<16384xf32, #tpu.memory_space<hbm>> -> memref<512xf32, #tpu.memory_space<hbm>>
      tpu.wait_dma2 semaphore(%run_scoped3A : memref<!tpu.dma_semaphore, #tpu.memory_space<semaphore_mem>>) src(%arg15 : memref<512xf32, #tpu.memory_space<vmem>>) dst(%dma_wait3A_9 : memref<512xf32, #tpu.memory_space<hbm>>)
      tpu.yield
    }) : () -> ()
    return
  }
}

module attributes {stable_mosaic.version = 14 : i64} {
  func.func @_logits_kernel(%arg0: i32, %arg1: memref<1024x2048xf32, #tpu.memory_space<vmem>>, %arg2: memref<128x2048xf32, #tpu.memory_space<vmem>>, %arg3: memref<64x1024xf32, #tpu.memory_space<vmem>>, %arg4: memref<64x1024xf32, #tpu.memory_space<vmem>>, %arg5: memref<64x1024xf32, #tpu.memory_space<vmem>>, %arg6: memref<64x1024xf32, #tpu.memory_space<vmem>>) attributes {dimension_semantics = [#tpu.dimension_semantics<parallel>], iteration_bounds = array<i64: 16>, scalar_prefetch = 0 : i64, scratch_operands = 0 : i64, tpu.core_type = #tpu.core_type<tc>, window_params = [{transform_indices = @transform_0, window_bounds = array<i64: 1024, 2048>}, {pipeline_mode = #tpu.pipeline_mode<synchronous>, transform_indices = @transform_1, window_bounds = array<i64: 128, 2048>}, {transform_indices = @transform_2, window_bounds = array<i64: 64, 1024>}, {transform_indices = @transform_3, window_bounds = array<i64: 64, 1024>}, {transform_indices = @transform_4, window_bounds = array<i64: 64, 1024>}, {transform_indices = @transform_5, window_bounds = array<i64: 64, 1024>}]} {
    %get3A = arith.constant 0 : index
    %get3A_0 = arith.constant 0 : index
    %get3A_1 = vector.load %arg2[%get3A, %get3A_0] : memref<128x2048xf32, #tpu.memory_space<vmem>>, vector<128x2048xf32>
    %get3A_2 = arith.constant 0 : index
    %get3A_3 = arith.constant 0 : index
    %get3A_4 = vector.load %arg1[%get3A_2, %get3A_3] : memref<1024x2048xf32, #tpu.memory_space<vmem>>, vector<1024x2048xf32>
    %dot_general3A = arith.constant dense<0.000000e+00> : vector<128x1024xf32>
    %dot_general3A_5 = tpu.matmul %get3A_1, %get3A_4, %dot_general3A {dimension_numbers = #tpu.dot_dimension_numbers<[1], [1], [0], [0], [0, 0, 1, 0], [], []>, transpose_lhs_hint = false} : vector<128x2048xf32>, vector<1024x2048xf32>, vector<128x1024xf32> -> vector<128x1024xf32>
    %slice3A = vector.extract_strided_slice %dot_general3A_5 {offsets = [0, 0], sizes = [64, 1024], strides = [1, 1]} : vector<128x1024xf32> to vector<64x1024xf32>
    %slice3A_6 = vector.extract_strided_slice %dot_general3A_5 {offsets = [64, 0], sizes = [64, 1024], strides = [1, 1]} : vector<128x1024xf32> to vector<64x1024xf32>
    %exp3A = math.exp %slice3A_6 : vector<64x1024xf32>
    %log1p3A = math.log1p %exp3A : vector<64x1024xf32>
    %add3A = arith.constant 0.00999999977 : f32
    %add3A_7 = vector.broadcast %add3A : f32 to vector<64x1024xf32>
    %add3A_8 = arith.addf %log1p3A, %add3A_7 : vector<64x1024xf32>
    %swap3A = arith.constant 0 : index
    %swap3A_9 = arith.constant 0 : index
    %swap3A_10 = vector.load %arg5[%swap3A, %swap3A_9] : memref<64x1024xf32, #tpu.memory_space<vmem>>, vector<64x1024xf32>
    tpu.vector_store %arg5[%swap3A, %swap3A_9], %slice3A {strides = array<i32>} : memref<64x1024xf32, #tpu.memory_space<vmem>>, vector<64x1024xf32>,
    %swap3A_11 = arith.constant 0 : index
    %swap3A_12 = arith.constant 0 : index
    %swap3A_13 = vector.load %arg6[%swap3A_11, %swap3A_12] : memref<64x1024xf32, #tpu.memory_space<vmem>>, vector<64x1024xf32>
    tpu.vector_store %arg6[%swap3A_11, %swap3A_12], %add3A_8 {strides = array<i32>} : memref<64x1024xf32, #tpu.memory_space<vmem>>, vector<64x1024xf32>,
    %get3A_14 = arith.constant 0 : index
    %get3A_15 = arith.constant 0 : index
    %get3A_16 = vector.load %arg3[%get3A_14, %get3A_15] : memref<64x1024xf32, #tpu.memory_space<vmem>>, vector<64x1024xf32>
    %mul3A = arith.mulf %get3A_16, %add3A_8 : vector<64x1024xf32>
    %add3A_17 = arith.addf %slice3A, %mul3A : vector<64x1024xf32>
    %swap3A_18 = arith.constant 0 : index
    %swap3A_19 = arith.constant 0 : index
    %swap3A_20 = vector.load %arg4[%swap3A_18, %swap3A_19] : memref<64x1024xf32, #tpu.memory_space<vmem>>, vector<64x1024xf32>
    tpu.vector_store %arg4[%swap3A_18, %swap3A_19], %add3A_17 {strides = array<i32>} : memref<64x1024xf32, #tpu.memory_space<vmem>>, vector<64x1024xf32>,
    return
  }
  func.func @transform_0(%arg0: i32) -> (i32, i32) {
    %c0_i32 = arith.constant 0 : i32
    %c0_i32_0 = arith.constant 0 : i32
    return %arg0, %c0_i32 : i32, i32
  }
  func.func @transform_1(%arg0: i32) -> (i32, i32) {
    %c0_i32 = arith.constant 0 : i32
    %c0_i32_0 = arith.constant 0 : i32
    %c0_i32_1 = arith.constant 0 : i32
    return %c0_i32, %c0_i32_0 : i32, i32
  }
  func.func @transform_2(%arg0: i32) -> (i32, i32) {
    %c0_i32 = arith.constant 0 : i32
    %c0_i32_0 = arith.constant 0 : i32
    return %c0_i32, %arg0 : i32, i32
  }
  func.func @transform_3(%arg0: i32) -> (i32, i32) {
    %c0_i32 = arith.constant 0 : i32
    %c0_i32_0 = arith.constant 0 : i32
    return %c0_i32, %arg0 : i32, i32
  }
  func.func @transform_4(%arg0: i32) -> (i32, i32) {
    %c0_i32 = arith.constant 0 : i32
    %c0_i32_0 = arith.constant 0 : i32
    return %c0_i32, %arg0 : i32, i32
  }
  func.func @transform_5(%arg0: i32) -> (i32, i32) {
    %c0_i32 = arith.constant 0 : i32
    %c0_i32_0 = arith.constant 0 : i32
    return %c0_i32, %arg0 : i32, i32
  }
}

module attributes {stable_mosaic.version = 14 : i64} {
  func.func @_post_kernel(%arg0: i32, %arg1: memref<64x1024xf32, #tpu.memory_space<vmem>>, %arg2: memref<64x1024xf32, #tpu.memory_space<vmem>>, %arg3: memref<1x1024xf32, #tpu.memory_space<vmem>>, %arg4: memref<1x1024xf32, #tpu.memory_space<vmem>>, %arg5: memref<1x1024xi32, #tpu.memory_space<vmem>>, %arg6: memref<1x1024xi32, #tpu.memory_space<vmem>>, %arg7: memref<64x2x1024xi32, #tpu.memory_space<vmem>>, %arg8: memref<64x1024xf32, #tpu.memory_space<vmem>>) attributes {dimension_semantics = [#tpu.dimension_semantics<parallel>], iteration_bounds = array<i64: 16>, scalar_prefetch = 0 : i64, scratch_operands = 0 : i64, tpu.core_type = #tpu.core_type<tc>, window_params = [{transform_indices = @transform_0, window_bounds = array<i64: 64, 1024>}, {transform_indices = @transform_1, window_bounds = array<i64: 64, 1024>}, {transform_indices = @transform_2, window_bounds = array<i64: 1, 1024>}, {transform_indices = @transform_3, window_bounds = array<i64: 1, 1024>}, {transform_indices = @transform_4, window_bounds = array<i64: 1, 1024>}, {transform_indices = @transform_5, window_bounds = array<i64: 1, 1024>}, {transform_indices = @transform_6, window_bounds = array<i64: 64, 2, 1024>}, {transform_indices = @transform_7, window_bounds = array<i64: 64, 1024>}]} {
    %get3A = arith.constant 0 : index
    %get3A_0 = arith.constant 0 : index
    %get3A_1 = vector.load %arg3[%get3A, %get3A_0] : memref<1x1024xf32, #tpu.memory_space<vmem>>, vector<1x1024xf32>
    %get3A_2 = arith.constant 0 : index
    %get3A_3 = arith.constant 0 : index
    %get3A_4 = vector.load %arg4[%get3A_2, %get3A_3] : memref<1x1024xf32, #tpu.memory_space<vmem>>, vector<1x1024xf32>
    %iota3A = tpu.iota {dimensions = array<i32: 0>} : vector<64x1024xi32>
    %get3A_5 = arith.constant 0 : index
    %get3A_6 = arith.constant 0 : index
    %get3A_7 = vector.load %arg5[%get3A_5, %get3A_6] : memref<1x1024xi32, #tpu.memory_space<vmem>>, vector<1x1024xi32>
    %eq3A = vector.broadcast %get3A_7 : vector<1x1024xi32> to vector<64x1024xi32>
    %eq3A_8 = arith.cmpi eq, %iota3A, %eq3A : vector<64x1024xi32>
    %get3A_9 = arith.constant 0 : index
    %get3A_10 = arith.constant 0 : index
    %get3A_11 = vector.load %arg6[%get3A_9, %get3A_10] : memref<1x1024xi32, #tpu.memory_space<vmem>>, vector<1x1024xi32>
    %eq3A_12 = vector.broadcast %get3A_11 : vector<1x1024xi32> to vector<64x1024xi32>
    %eq3A_13 = arith.cmpi eq, %iota3A, %eq3A_12 : vector<64x1024xi32>
    %or3A = arith.ori %eq3A_8, %eq3A_13 : vector<64x1024xi1>
    %broadcast_in_dim3A = vector.shape_cast %get3A_4 : vector<1x1024xf32> to vector<1x1024xf32>
    %broadcast_in_dim3A_14 = vector.broadcast %broadcast_in_dim3A : vector<1x1024xf32> to vector<64x1024xf32>
    %broadcast_in_dim3A_15 = vector.shape_cast %get3A_1 : vector<1x1024xf32> to vector<1x1024xf32>
    %broadcast_in_dim3A_16 = vector.broadcast %broadcast_in_dim3A_15 : vector<1x1024xf32> to vector<64x1024xf32>
    %select_n3A = arith.select %or3A, %broadcast_in_dim3A_14, %broadcast_in_dim3A_16 : vector<64x1024xi1>, vector<64x1024xf32>
    %get3A_17 = arith.constant 0 : index
    %get3A_18 = arith.constant 0 : index
    %get3A_19 = vector.load %arg2[%get3A_17, %get3A_18] : memref<64x1024xf32, #tpu.memory_space<vmem>>, vector<64x1024xf32>
    %div3A = arith.constant 0.707106769 : f32
    %div3A_20 = vector.broadcast %div3A : f32 to vector<64x1024xf32>
    %div3A_21 = arith.divf %div3A_20, %get3A_19 : vector<64x1024xf32>
    %get3A_22 = arith.constant 0 : index
    %get3A_23 = arith.constant 0 : index
    %get3A_24 = vector.load %arg1[%get3A_22, %get3A_23] : memref<64x1024xf32, #tpu.memory_space<vmem>>, vector<64x1024xf32>
    %sub3A = arith.subf %get3A_24, %select_n3A : vector<64x1024xf32>
    %mul3A = arith.mulf %sub3A, %div3A_21 : vector<64x1024xf32>
    %erf3A = math.erf %mul3A : vector<64x1024xf32>
    %add3A = arith.constant 1.000000e+00 : f32
    %add3A_25 = vector.broadcast %add3A : f32 to vector<64x1024xf32>
    %add3A_26 = arith.addf %add3A_25, %erf3A : vector<64x1024xf32>
    %mul3A_27 = arith.constant 5.000000e-01 : f32
    %mul3A_28 = vector.broadcast %mul3A_27 : f32 to vector<64x1024xf32>
    %mul3A_29 = arith.mulf %mul3A_28, %add3A_26 : vector<64x1024xf32>
    %swap3A = arith.constant 0 : index
    %swap3A_30 = arith.constant 0 : index
    %swap3A_31 = vector.load %arg8[%swap3A, %swap3A_30] : memref<64x1024xf32, #tpu.memory_space<vmem>>, vector<64x1024xf32>
    tpu.vector_store %arg8[%swap3A, %swap3A_30], %mul3A_29 {strides = array<i32>} : memref<64x1024xf32, #tpu.memory_space<vmem>>, vector<64x1024xf32>,
    %get3A_32 = arith.constant 0 : index
    %get3A_33 = arith.constant 0 : index
    %get3A_34 = vector.load %arg5[%get3A_32, %get3A_33] : memref<1x1024xi32, #tpu.memory_space<vmem>>, vector<1x1024xi32>
    %broadcast_in_dim3A_35 = vector.shape_cast %get3A_34 : vector<1x1024xi32> to vector<1x1x1024xi32>
    %get3A_36 = arith.constant 0 : index
    %get3A_37 = arith.constant 0 : index
    %get3A_38 = vector.load %arg6[%get3A_36, %get3A_37] : memref<1x1024xi32, #tpu.memory_space<vmem>>, vector<1x1024xi32>
    %broadcast_in_dim3A_39 = vector.shape_cast %get3A_38 : vector<1x1024xi32> to vector<1x1x1024xi32>
    %concatenate3A = tpu.concatenate %broadcast_in_dim3A_35, %broadcast_in_dim3A_39 in 1 : vector<1x1x1024xi32>, vector<1x1x1024xi32> -> vector<1x2x1024xi32>
    %iota3A_40 = tpu.iota {dimensions = array<i32: 0>} : vector<64x2x1024xi32>
    %eq3A_41 = vector.broadcast %concatenate3A : vector<1x2x1024xi32> to vector<64x2x1024xi32>
    %eq3A_42 = arith.cmpi eq, %iota3A_40, %eq3A_41 : vector<64x2x1024xi32>
    %convert_element_type3A = arith.extui %eq3A_42 : vector<64x2x1024xi1> to vector<64x2x1024xi32>
    %swap3A_43 = arith.constant 0 : index
    %swap3A_44 = arith.constant 0 : index
    %swap3A_45 = arith.constant 0 : index
    %swap3A_46 = vector.load %arg7[%swap3A_43, %swap3A_44, %swap3A_45] : memref<64x2x1024xi32, #tpu.memory_space<vmem>>, vector<64x2x1024xi32>
    tpu.vector_store %arg7[%swap3A_43, %swap3A_44, %swap3A_45], %convert_element_type3A {strides = array<i32>} : memref<64x2x1024xi32, #tpu.memory_space<vmem>>, vector<64x2x1024xi32>,
    return
  }
  func.func @transform_0(%arg0: i32) -> (i32, i32) {
    %c0_i32 = arith.constant 0 : i32
    %c0_i32_0 = arith.constant 0 : i32
    return %c0_i32, %arg0 : i32, i32
  }
  func.func @transform_1(%arg0: i32) -> (i32, i32) {
    %c0_i32 = arith.constant 0 : i32
    %c0_i32_0 = arith.constant 0 : i32
    return %c0_i32, %arg0 : i32, i32
  }
  func.func @transform_2(%arg0: i32) -> (i32, i32) {
    %c0_i32 = arith.constant 0 : i32
    %c0_i32_0 = arith.constant 0 : i32
    return %c0_i32, %arg0 : i32, i32
  }
  func.func @transform_3(%arg0: i32) -> (i32, i32) {
    %c0_i32 = arith.constant 0 : i32
    %c0_i32_0 = arith.constant 0 : i32
    return %c0_i32, %arg0 : i32, i32
  }
  func.func @transform_4(%arg0: i32) -> (i32, i32) {
    %c0_i32 = arith.constant 0 : i32
    %c0_i32_0 = arith.constant 0 : i32
    return %c0_i32, %arg0 : i32, i32
  }
  func.func @transform_5(%arg0: i32) -> (i32, i32) {
    %c0_i32 = arith.constant 0 : i32
    %c0_i32_0 = arith.constant 0 : i32
    return %c0_i32, %arg0 : i32, i32
  }
  func.func @transform_6(%arg0: i32) -> (i32, i32, i32) {
    %c0_i32 = arith.constant 0 : i32
    %c0_i32_0 = arith.constant 0 : i32
    %c0_i32_1 = arith.constant 0 : i32
    return %c0_i32, %c0_i32_0, %arg0 : i32, i32, i32
  }
  func.func @transform_7(%arg0: i32) -> (i32, i32) {
    %c0_i32 = arith.constant 0 : i32
    %c0_i32_0 = arith.constant 0 : i32
    return %c0_i32, %arg0 : i32, i32
  }
}

</mosaic_0001>

<sc_bundles>
// kernel: kernel.5.cloned.1.call-start
scs
__scs_entry_jumppad:
0x0: {  	(pc) =	sbr.rel $0x88, $3  }
0x1: {  	(tag) =	ssettag $0x0;
	lr =	simm.s32 $0x1  }
0x2: {  	[smem:$0x3F9E] =	sst lr;
	_ =	strace $0xD0000000  }
0x3: {  	_ = 	snop  }
0x4: {  	_ = 	snop  }
0x5: {  	_ = 	snop  }
0x6: {  	_ = 	snop  }
0x7: {  	_ = 	snop  }
__scs_overlays_trampoline_lowered:
0x8: {  	[smem:$0x3FAD] =	sst s0  }
0x9: {  	[smem:$0x3FAE] =	sst s1  }
0xa: {  	[smem:$0x3FAF] =	sst s2  }
0xb: {  	[smem:$0x3FB0] =	sst s3  }
0xc: {  	[smem:$0x3FB1] =	sst s4  }
0xd: {  	[smem:$0x3FB2] =	sst s5  }
0xe: {  	[smem:$0x3FB3] =	sst s6  }
0xf: {  	[smem:$0x3FB4] =	sst s7  }
0x10: {  	[smem:$0x3FB5] =	sst s8  }
0x11: {  	[smem:$0x3FB6] =	sst s9;
	s0 =	simm.s32 @!p0 $0x0  }
0x12: {  	s1 =	sld [smem:$0x3F9C];
	s0 =	simm.s32 @p0 $0x1  }
0x13: {  	[smem:$0x3FB7] =	sst s0;
	s0 =	simm.s32 @!p1 $0x0  }
0x14: {  	s2 =	sld [smem:$0x3F9B];
	s0 =	simm.s32 @p1 $0x1  }
0x15: {  	[smem:$0x3FB8] =	sst s0;
	s0 =	simm.s32 @!p2 $0x0  }
0x16: {  	s3 =	sld [smem:$0x3FDB];
	s0 =	simm.s32 @p2 $0x1  }
0x17: {  	s4 =	simm.s32 $0x1BF5;
	[smem:$0x3FBA] =	sst s0  }
0x18: {  	s0 =	sld [smem:$0x3F9D];
	_ =	swait.ge [sflag:s4], $0x0  }
0x19: {  	s7 =	sld [smem:$0x3F9E]  }
0x1a: {  	s8 =	sadd.s32 $0xFFFFE003, lr  }
0x1b: {  	s9 =	sadd.s32 $0xFFFFFEF7, lr;
	s5 =	simm.s32 $0xFFFFFFFF;
	p2 =	slt.u32 s8, $0xFFFFF086  }
0x1c: {  	p1 =	slt.u32 s9, $0xF7A;
	s5 =	simm.s32 @!p2 $0x0  }
0x1d: {  	s5 =	simm.s32 @p1 $0x1;
	p0 =	seq.s32 s7, s2  }
0x1e: {  	s7 =	smul.u32 @!p0 $0xF7A, s2;
	p2 =	seq.s32 @!p0 s5, $0x0  }
0x1f: {  	s9 =	smul.u32 $0xF7A, s1;
	s8 =	simm.s32 @!p0 $0x1BF5;
	p2 =	por !p2, p0  }
0x20: {  	[sflag:s8] =	ssyncset.s32 @!p0 $0xFFFFF086;
	s6 =	sadd.s32 @!p0 s3, s7;
	s7 =	simm.s32 @!p0 $0x108  }
0x21: {  	s3 =	sadd.s32 s3, s9;
	s6 =	sadd.s32 @!p0 $0x88, s6;
	s7 =	simm.s32 @p2 $0x1082  }
0x22: {  	[simem:s7], [sflag:s8] =	dma.local @!p0 [hbm:s6], $0xF7A  }
0x23: {  	s9 =	sor.u32 $0xD0000000, s2;
	s6 =	simm.s32 $0x108;
	_ =	swait.ge @!p0 [sflag:s8], $0x0  }
0x24: {  	s3 =	sadd.s32 $0x88, s3;
	s6 =	simm.s32 @!p1 $0x1082;
	[sflag:s4] =	ssyncset.s32 $0xFFFFF086  }
0x25: {  	[simem:s6], [sflag:s4] =	dma.local [hbm:s3], $0xF7A  }
0x26: {  	[smem:$0x3F9E] =	sst s1;
	(tag) =	ssettag s2;
	_ =	strace s9  }
0x27: {  	s1 =	sld [smem:$0x3FAE]  }
0x28: {  	s2 =	sld [smem:$0x3FAF]  }
0x29: {  	s4 =	sld [smem:$0x3FB1]  }
0x2a: {  	p0 =	seq.s32 s5, $0x0;
	s5 =	sld [smem:$0x3FB2]  }
0x2b: {  	s6 =	sld [smem:$0x3FB3]  }
0x2c: {  	s7 =	sld [smem:$0x3FB4]  }
0x2d: {  	s3 =	simm.s32 $0x108;
	s8 =	sld [smem:$0x3FB5]  }
0x2e: {  	s3 =	simm.s32 @!p0 $0x1082;
	s9 =	sld [smem:$0x3FB6]  }
0x2f: {  	lr =	sadd.s32 s0, s3;
	s0 =	sld [smem:$0x3FAD]  }
0x30: {  	s3 =	sld [smem:$0x3FB0]  }
0x31: {  	[smem:$0x3FB9] =	sst s10  }
0x32: {  	s10 =	sld [smem:$0x3FB7];
	_ =	sdelay $0x3  }
0x33: {  	p0 =	seq.s32 s10, $0x1;
	s10 =	sld [smem:$0x3FB9];
	_ =	sdelay $0x3  }
0x34: {  	[smem:$0x3FB9] =	sst s10  }
0x35: {  	s10 =	sld [smem:$0x3FB8];
	_ =	sdelay $0x3  }
0x36: {  	p1 =	seq.s32 s10, $0x1;
	s10 =	sld [smem:$0x3FB9];
	_ =	sdelay $0x3  }
0x37: {  	[smem:$0x3FB9] =	sst s10  }
0x38: {  	s10 =	sld [smem:$0x3FBA]  }
0x39: {  	_ = 	snop;
	(pc) =	sbr.ind lr, $3  }
0x3a: {  	_ = 	snop  }
0x3b: {  	_ = 	snop  }
0x3c: {  	p2 =	seq.s32 s10, $0x1;
	s10 =	sld [smem:$0x3FB9]  }
0x3d: {  	_ =	shalt  }
0x3e: {  	_ =	shalt  }
0x3f: {  	_ =	shalt  }
0x40: {  	_ =	shalt  }
0x41: {  	_ =	shalt  }
0x42: {  	_ =	shalt  }
0x43: {  	_ =	shalt  }
0x44: {  	_ =	shalt  }
0x45: {  	_ =	shalt  }
0x46: {  	_ =	shalt  }
0x47: {  	_ =	shalt  }
0x48: {  	_ =	shalt  }
0x49: {  	_ =	shalt  }
0x4a: {  	_ =	shalt  }
0x4b: {  	_ =	shalt  }
0x4c: {  	_ =	shalt  }
0x4d: {  	_ =	shalt  }
0x4e: {  	_ =	shalt  }
0x4f: {  	_ =	shalt  }
0x50: {  	_ =	shalt  }
0x51: {  	_ =	shalt  }
0x52: {  	_ =	shalt  }
0x53: {  	_ =	shalt  }
0x54: {  	_ =	shalt  }
0x55: {  	_ =	shalt  }
0x56: {  	_ =	shalt  }
0x57: {  	_ =	shalt  }
0x58: {  	_ =	shalt  }
0x59: {  	_ =	shalt  }
0x5a: {  	_ =	shalt  }
0x5b: {  	_ =	shalt  }
0x5c: {  	_ =	shalt  }
0x5d: {  	_ =	shalt  }
0x5e: {  	_ =	shalt  }
0x5f: {  	_ =	shalt  }
0x60: {  	_ =	shalt  }
0x61: {  	_ =	shalt  }
0x62: {  	_ =	shalt  }
0x63: {  	_ =	shalt  }
0x64: {  	_ =	shalt  }
0x65: {  	_ =	shalt  }
0x66: {  	_ =	shalt  }
0x67: {  	_ =	shalt  }
0x68: {  	_ =	shalt  }
0x69: {  	_ =	shalt  }
0x6a: {  	_ =	shalt  }
0x6b: {  	_ =	shalt  }
0x6c: {  	_ =	shalt  }
0x6d: {  	_ =	shalt  }
0x6e: {  	_ =	shalt  }
0x6f: {  	_ =	shalt  }
0x70: {  	_ =	shalt  }
0x71: {  	_ =	shalt  }
0x72: {  	_ =	shalt  }
0x73: {  	_ =	shalt  }
0x74: {  	_ =	shalt  }
0x75: {  	_ =	shalt  }
0x76: {  	_ =	shalt  }
0x77: {  	_ =	shalt  }
0x78: {  	_ =	shalt  }
0x79: {  	_ =	shalt  }
0x7a: {  	_ =	shalt  }
0x7b: {  	_ =	shalt  }
0x7c: {  	_ =	shalt  }
0x7d: {  	_ =	shalt  }
0x7e: {  	_ =	shalt  }
0x7f: {  	_ =	shalt  }
0x80: {  	_ =	shalt  }
0x81: {  	_ =	shalt  }
0x82: {  	_ =	shalt  }
0x83: {  	_ =	shalt  }
0x84: {  	_ =	shalt  }
0x85: {  	_ =	shalt  }
0x86: {  	_ =	shalt  }
0x87: {  	_ =	shalt  }
.Lfunc_end0:
.L_simem_size_0:
called_computation_lowered:
.L_overlay_start_0:
0x88: {  	s2 =	sld [smem:$0x3FD9]  }
0x89: {  	s3 =	sld [smem:$0x3FFE];
	_ =	sdelay $0x1  }
0x8a: {  	s1 =	srdreg.scid  }
0x8b: {  	s0 =	sand.u32 $0x1, s1  }
0x8c: {  	s14 =	sshll.u32 s0, $0xA;
	s2 =	sadd.s32 s3, s2  }
0x8d: {  	s2 =	sadd.s32 s2, s14  }
0x8e: {  	[smem:$0x3FC5] =	sst s2  }
0x8f: {  	_ = 	snop  }
0x90: {  	s2 =	sld [smem:$0x3FD0];
	_ =	sdelay $0x2  }
0x91: {  	s15 =	simm.s32 $0xA;
	s4 =	simm.s32 $0x10  }
0x92: {  	[smem:s4], [sflag:s15] =	dma.local [hbm:s2], $0x1  }
0x93: {  	_ =	swait.eq [sflag:s15], $0x1  }
0x94: {  	[sflag:s15] =	ssyncset.done $0x0  }
0x95: {  	s16 =	sld [smem:$0x12];
	[sflag:s15] =	ssyncadd.s32 $0xFFFFFFFF  }
0x96: {  	s17 =	sld [smem:$0x13];
	(tm) =	ssettm $0x1  }
0x97: {  	s18 =	sld [smem:$0x3FFB];
	_ =	sdelay $0x3  }
0x98: {  	_ =	strace s18  }
0x99: {  	s4 =	sld [smem:$0x3FFC];
	_ =	sdelay $0x3  }
0x9a: {  	_ =	strace s4  }
0x9b: {  	s4 =	sld [smem:$0x3FFD];
	_ =	sdelay $0x3  }
0x9c: {  	_ =	strace s4  }
0x9d: {  	_ =	strace $0x8FFFFFFF  }
0x9e: {  	s19 =	sld [smem:$0x3FDB];
	_ =	sdelay $0x1  }
0x9f: {  	s5 =	simm.s32 $_scs_section_size  }
0xa0: {  	s6 =	simm.s32 $_size__tile_overlayer_lowered;
	s7 =	simm.s32 $_tile_overlayer_lowered  }
0xa1: {  	s22 =	simm.s32 $0x1BFF;
	s21 =	sshll.u32 s7, $0x1;
	s4 =	sadd.s32 s5, s19  }
0xa2: {  	s8 =	simm.s32 $0x0;
	s20 =	sshll.u32 s6, $0x1;
	s6 =	sadd.s32 s21, s4  }
0xa3: {  	[timem:s8], [sflag:s22] =	dma.local [hbm:s6], s20  }
0xa4: {  	_ =	swait.ge [sflag:s22], s20  }
0xa5: {  	s5 =	ssub.s32 $0x0, s20;
	[sflag:s22] =	ssyncset.done $0x0  }
0xa6: {  	[sflag:s22] =	ssyncadd.s32 s5;
	_ =	sdelay $0x1  }
0xa7: {  	s23 =	simm.s32 $0x1B8B  }
0xa8: {  	_ =	swait.ge [sflag:s23], $0x1  }
0xa9: {  	[sflag:s23] =	ssyncset.done $0x0  }
0xaa: {  	s25 =	simm.s32 $0x1B8E;
	s24 =	sld [smem:$0x3FFE];
	[sflag:s23] =	ssyncadd.s32 $0xFFFFFFFF  }
0xab: {  	s26 =	simm.s32 $execute0_lowered;
	[smem:$0x3FD2] =	sst s25  }
0xac: {  	s6 =	sshll.u32 s26, $0x1;
	_ =	strace $0x80000046;
	[dreg:$0x1] =	wrdreg $0xFFFFFFFF  }
0xad: {  	s28 =	simm.s32 $_size_execute0_lowered;
	s4 =	sadd.s32 s4, s6;
	[dreg:$0x0] =	wrdreg $0x0  }
0xae: {  	s6 =	sshll.u32 s28, $0x1;
	[dreg:$0x2] =	wrdreg s4  }
0xaf: {  	[dreg:$0x3] =	wrdreg s6  }
0xb0: {  	[dreg:$0x4] =	wrdreg $0xC0  }
0xb1: {  	_ =	task [dreg:s8], $0x5FFFF  }
0xb2: {  	[dreg:$0x1] =	wrdreg $0xFFFFFFFF  }
0xb3: {  	[dreg:$0x0] =	wrdreg $0x60  }
0xb4: {  	[dreg:$0x2] =	wrdreg s16  }
0xb5: {  	[dreg:$0x3] =	wrdreg s17  }
0xb6: {  	[dreg:$0x4] =	wrdreg s24  }
0xb7: {  	[dreg:$0x5] =	wrdreg $0x9  }
0xb8: {  	_ =	task.clear_ibuf [dreg:s8], $0x6FFFF;
	_ =	strace $0x90000046  }
0xb9: {  	s29 =	simm.s32 $0x9;
	_ =	strace $0x80000048  }
0xba: {  	_ =	swait.ge [sflag:s29], $0x1  }
0xbb: {  	[sflag:s29] =	ssyncadd.s32 $0xFFFFFFFF  }
0xbc: {  	_ =	strace $0x90000048  }
0xbd: {  	_ =	sfence  }
0xbe: {  	s30 =	sld [smem:$0x0];
	_ =	sdelay $0x2  }
0xbf: {  	s31 =	sshll.u32 s1, $0xD;
	s1 =	sshrl.u32 s1, $0x2  }
0xc0: {  	s3 =	sand.u32 $0x4000, s31;
	s1 =	sadd.s32 s1, s30  }
0xc1: {  	s0 =	sor.u32 s3, s0;
	s1 =	sshll.u32 s1, $0x11  }
0xc2: {  	s0 =	sor.u32 s1, s0  }
0xc3: {  	s0 =	sadd.s32 $0x8F2B, s0  }
0xc4: {  	[sflag:s0] =	ssyncadd.remote.s32 $0x1  }
0xc5: {  	_ =	sfence.sel $0xFFFF  }
0xc6: {  	[dreg:$0x0] =	wrdreg $0xFFFFFFFF;
	(pc) =	sbr.abs _section_cstart, $3  }
0xc7: {  	[dreg:$0x1] =	wrdreg $0xFFFFFFFF  }
0xc8: {  	_ =	task.clear_ibuf [dreg:s8], $0x2FFFF;
	_ =	strace $0x9FFFFFFF  }
0xc9: {  	(tm) =	ssettm $0x7FFFFFFF  }
tec
execute0_lowered:
.L_overlay_start_1:
0x0: {  	(tag) =	ssettag $0x1  }
0x1: {  	s3 =	rddreg [dreg:$0x0]  }
0x2: {  	s4 =	rddreg [dreg:$0x1];
	s0 =	srdreg.scid  }
0x3: {  	s5 =	rddreg [dreg:$0x2];
	s1 =	stileid.u32;
	s2 =	simm.s32 $0x0  }
0x4: {  	s12 =	simm.s32 $0x20000;
	s13 =	simm.s32 $0x1;
	s14 =	simm.s32 $0x8000  }
0x5: {  	s15 =	simm.s32 $0x8200;
	s16 =	simm.s32 $0x8400;
	s17 =	simm.s32 $0x8600  }
0x6: {  	s18 =	simm.s32 $0x8800;
	s19 =	simm.s32 $0x8A00;
	s6 =	sand.u32 $0x1, s0  }
0x7: {  	s20 =	simm.s32 $0x0;
	s7 =	sshll.u32 s1, $0xA;
	s8 =	sshll.u32 s6, $0x9  }
0x8: {  	s0 =	rddreg [dreg:$0x3];
	s6 =	ssub.s32 $0x2, s6;
	s7 =	sor.u32 s8, s7  }
0x9: {  	[smem:$0x7FF] =	sst s2;
	s9 =	sshrl.u32 s6, $0x1;
	s8 =	sshrl.u32 s7, $0x3  }
0xa: {  	_ =	strace $0x80000047;
	s11 =	ssub.s32 s6, s9;
	s10 =	sadd.s32 s8, s5  }
0xb: {  	s3 =	sadd.s32 s3, s7;
	s4 =	sadd.s32 s4, s8;
	s5 =	sadd.s32 $0xE00, s10  }
0xc: {  	s6 =	sadd.s32 $0x1600, s10;
	s7 =	sadd.s32 $0x1E00, s10;
	s8 =	sadd.s32 $0x2600, s10  }
0xd: {  	v0 =	vimm.s32 $0x0;
	s9 =	sadd.s32 $0x2E00, s10;
	s10 =	smax.u32 s11, $0x1;
	s11 =	simm.s32 $0x1000  }
.LBB2_1:
0xe: {  	[tilespmem:s2], [sflag:$0x1] =	stream.strided.gather [hbm4b:s3+s11], $0x8000, s12, s11, $0x38;
	[tilespmem:$0x8C00] =	vst v63  }
0xf: {  	s21 =	simm.s32 $0x8A00;
	s22 =	simm.s32 $0x8800  }
0x10: {  	s23 =	simm.s32 $0x8600;
	s24 =	simm.s32 $0x8400;
	_ =	swait.ge [sflag:s13], $0x8000  }
0x11: {  	s25 =	simm.s32 $0x8200;
	s26 =	simm.s32 $0x8000;
	[sflag:s13] =	ssyncset.done $0x0  }
0x12: {  	s28 =	simm.s32 $0x0;
	s29 =	simm.s32 $0x0;
	[sflag:s13] =	ssyncadd.s32 $0xFFFF8000  }
.LBB2_2:
0x13: {  	s30 =	sand.u32 $0x70, s29;
	s31 =	sand.u32 $0xC00, s28  }
0x14: {  	s30 =	sor.u32 s30, s31  }
0x15: {  	v1 =	vld [tilespmem:s30+$0x0]  }
0x16: {  	v2 =	vld [tilespmem:s30+$0x80]  }
0x17: {  	v3 =	vld [tilespmem:s30+$0x100];
	_ =	sdelay $0x2  }
0x18: {  	vm0 =	vgt.f32 v1, $-Inf  }
0x19: {  	vm6 =	vlt.f32 v2, $-Inf;
	vm1 =	vgt.f32 v2, $-Inf;
	v1 =	vnsel vm0, $0xFF800000, v1  }
0x1a: {  	vm10 =	vgt.f32 v3, $-Inf;
	vm0 =	vmor vm1, vm6;
	vm2 =	vgt.f32 v2, v1  }
0x1b: {  	v9 =	vnsel vm10, $0xFF800000, v3;
	v4 =	vnsel vm0, $0xFF800000, v2;
	vm7 =	vmneg vm2  }
0x1c: {  	v5 =	vld [tilespmem:s30+$0x180];
	v4 =	vsel vm2, v1, v4;
	v1 =	vsel vm2, v2, v1;
	v2 =	vsel vm2, $0x1, v0  }
0x1d: {  	vm0 =	vmand vm0, vm7;
	vm8 =	vgt.f32 v3, v4;
	vm9 =	vgt.f32 v3, v1  }
0x1e: {  	v6 =	vsel vm0, $0x1, v0;
	v7 =	vsel vm8, v3, v4;
	vm0 =	vmor vm9, vm8  }
0x1f: {  	v6 =	vsel vm8, $0x2, v6;
	v7 =	vsel vm9, v1, v7;
	v1 =	vsel vm9, v3, v1  }
0x20: {  	v8 =	vld [tilespmem:s30+$0x200];
	v3 =	vsel vm0, v4, v9;
	v6 =	vsel vm9, v2, v6;
	v2 =	vsel vm9, $0x2, v2  }
0x21: {  	vm11 =	vgt.f32 v5, v7;
	vm12 =	vgt.f32 v5, v1;
	vm13 =	vgt.f32 v5, v3  }
0x22: {  	v57 =	vsel vm11, $0x3, v6;
	v58 =	vsel vm11, v5, v7;
	vm1 =	vmor vm12, vm11  }
0x23: {  	v3 =	vsel vm13, v5, v3;
	v4 =	vsel vm12, v2, v57;
	v2 =	vsel vm12, $0x3, v2  }
0x24: {  	v59 =	vld [tilespmem:s30+$0x280];
	v6 =	vsel vm12, v1, v58;
	v1 =	vsel vm12, v5, v1;
	v3 =	vsel vm1, v7, v3  }
0x25: {  	vm14 =	vgt.f32 v8, v6;
	vm15 =	vgt.f32 v8, v1;
	vm4 =	vgt.f32 v8, v3  }
0x26: {  	v4 =	vsel vm14, $0x4, v4;
	v60 =	vsel vm14, v8, v6;
	vm0 =	vmor vm15, vm14  }
0x27: {  	v3 =	vsel vm4, v8, v3;
	v4 =	vsel vm15, v2, v4;
	v2 =	vsel vm15, $0x4, v2  }
0x28: {  	v61 =	vld [tilespmem:s30+$0x300];
	v5 =	vsel vm15, v1, v60;
	v1 =	vsel vm15, v8, v1;
	v3 =	vsel vm0, v6, v3  }
0x29: {  	vm5 =	vgt.f32 v59, v5;
	vm6 =	vgt.f32 v59, v1;
	vm7 =	vgt.f32 v59, v3  }
0x2a: {  	v4 =	vsel vm5, $0x5, v4;
	v62 =	vsel vm5, v59, v5;
	vm1 =	vmor vm6, vm5  }
0x2b: {  	v3 =	vsel vm7, v59, v3;
	v4 =	vsel vm6, v2, v4;
	v2 =	vsel vm6, $0x5, v2  }
0x2c: {  	v63 =	vld [tilespmem:s30+$0x380];
	v6 =	vsel vm6, v1, v62;
	v1 =	vsel vm6, v59, v1;
	v3 =	vsel vm1, v5, v3  }
0x2d: {  	vm8 =	vgt.f32 v61, v6;
	vm9 =	vgt.f32 v61, v1;
	vm10 =	vgt.f32 v61, v3  }
0x2e: {  	v4 =	vsel vm8, $0x6, v4;
	v12 =	vsel vm8, v61, v6;
	vm0 =	vmor vm9, vm8  }
0x2f: {  	v3 =	vsel vm10, v61, v3;
	v4 =	vsel vm9, v2, v4;
	v2 =	vsel vm9, $0x6, v2  }
0x30: {  	v13 =	vld [tilespmem:s30+$0x1000];
	v5 =	vsel vm9, v1, v12;
	v1 =	vsel vm9, v61, v1;
	v3 =	vsel vm0, v6, v3  }
0x31: {  	vm11 =	vgt.f32 v63, v5;
	vm12 =	vgt.f32 v63, v1;
	vm13 =	vgt.f32 v63, v3  }
0x32: {  	v4 =	vsel vm11, $0x7, v4;
	v14 =	vsel vm11, v63, v5;
	vm1 =	vmor vm12, vm11  }
0x33: {  	v3 =	vsel vm13, v63, v3;
	v4 =	vsel vm12, v2, v4;
	v2 =	vsel vm12, $0x7, v2  }
0x34: {  	v15 =	vld [tilespmem:s30+$0x1080];
	v6 =	vsel vm12, v1, v14;
	v1 =	vsel vm12, v63, v1;
	v3 =	vsel vm1, v5, v3  }
0x35: {  	vm14 =	vgt.f32 v13, v6;
	vm15 =	vgt.f32 v13, v1;
	vm4 =	vgt.f32 v13, v3  }
0x36: {  	v4 =	vsel vm14, $0x8, v4;
	v16 =	vsel vm14, v13, v6;
	vm0 =	vmor vm15, vm14  }
0x37: {  	v3 =	vsel vm4, v13, v3;
	v4 =	vsel vm15, v2, v4;
	v2 =	vsel vm15, $0x8, v2  }
0x38: {  	v17 =	vld [tilespmem:s30+$0x1100];
	v5 =	vsel vm15, v1, v16;
	v1 =	vsel vm15, v13, v1;
	v3 =	vsel vm0, v6, v3  }
0x39: {  	vm5 =	vgt.f32 v15, v5;
	vm6 =	vgt.f32 v15, v1;
	vm7 =	vgt.f32 v15, v3  }
0x3a: {  	v4 =	vsel vm5, $0x9, v4;
	v18 =	vsel vm5, v15, v5;
	vm1 =	vmor vm6, vm5  }
0x3b: {  	v3 =	vsel vm7, v15, v3;
	v4 =	vsel vm6, v2, v4;
	v2 =	vsel vm6, $0x9, v2  }
0x3c: {  	v19 =	vld [tilespmem:s30+$0x1180];
	v6 =	vsel vm6, v1, v18;
	v1 =	vsel vm6, v15, v1;
	v3 =	vsel vm1, v5, v3  }
0x3d: {  	vm8 =	vgt.f32 v17, v6;
	vm9 =	vgt.f32 v17, v1;
	vm10 =	vgt.f32 v17, v3  }
0x3e: {  	v4 =	vsel vm8, $0xA, v4;
	v20 =	vsel vm8, v17, v6;
	vm0 =	vmor vm9, vm8  }
0x3f: {  	v3 =	vsel vm10, v17, v3;
	v4 =	vsel vm9, v2, v4;
	v2 =	vsel vm9, $0xA, v2  }
0x40: {  	v21 =	vld [tilespmem:s30+$0x1200];
	v5 =	vsel vm9, v1, v20;
	v1 =	vsel vm9, v17, v1;
	v3 =	vsel vm0, v6, v3  }
0x41: {  	vm11 =	vgt.f32 v19, v5;
	vm12 =	vgt.f32 v19, v1;
	vm13 =	vgt.f32 v19, v3  }
0x42: {  	v4 =	vsel vm11, $0xB, v4;
	v22 =	vsel vm11, v19, v5;
	vm1 =	vmor vm12, vm11  }
0x43: {  	v3 =	vsel vm13, v19, v3;
	v4 =	vsel vm12, v2, v4;
	v2 =	vsel vm12, $0xB, v2  }
0x44: {  	v23 =	vld [tilespmem:s30+$0x1280];
	v6 =	vsel vm12, v1, v22;
	v1 =	vsel vm12, v19, v1;
	v3 =	vsel vm1, v5, v3  }
0x45: {  	vm14 =	vgt.f32 v21, v6;
	vm15 =	vgt.f32 v21, v1;
	vm4 =	vgt.f32 v21, v3  }
0x46: {  	v4 =	vsel vm14, $0xC, v4;
	v24 =	vsel vm14, v21, v6;
	vm0 =	vmor vm15, vm14  }
0x47: {  	v3 =	vsel vm4, v21, v3;
	v4 =	vsel vm15, v2, v4;
	v2 =	vsel vm15, $0xC, v2  }
0x48: {  	v25 =	vld [tilespmem:s30+$0x1300];
	v5 =	vsel vm15, v1, v24;
	v1 =	vsel vm15, v21, v1;
	v3 =	vsel vm0, v6, v3  }
0x49: {  	vm5 =	vgt.f32 v23, v5;
	vm6 =	vgt.f32 v23, v1;
	vm7 =	vgt.f32 v23, v3  }
0x4a: {  	v4 =	vsel vm5, $0xD, v4;
	v26 =	vsel vm5, v23, v5;
	vm1 =	vmor vm6, vm5  }
0x4b: {  	v3 =	vsel vm7, v23, v3;
	v4 =	vsel vm6, v2, v4;
	v2 =	vsel vm6, $0xD, v2  }
0x4c: {  	v27 =	vld [tilespmem:s30+$0x1380];
	v6 =	vsel vm6, v1, v26;
	v1 =	vsel vm6, v23, v1;
	v3 =	vsel vm1, v5, v3  }
0x4d: {  	vm8 =	vgt.f32 v25, v6;
	vm9 =	vgt.f32 v25, v1;
	vm10 =	vgt.f32 v25, v3  }
0x4e: {  	v4 =	vsel vm8, $0xE, v4;
	v28 =	vsel vm8, v25, v6;
	vm0 =	vmor vm9, vm8  }
0x4f: {  	v3 =	vsel vm10, v25, v3;
	v4 =	vsel vm9, v2, v4;
	v2 =	vsel vm9, $0xE, v2  }
0x50: {  	v29 =	vld [tilespmem:s30+$0x2000];
	v5 =	vsel vm9, v1, v28;
	v1 =	vsel vm9, v25, v1;
	v3 =	vsel vm0, v6, v3  }
0x51: {  	vm11 =	vgt.f32 v27, v5;
	vm12 =	vgt.f32 v27, v1;
	vm13 =	vgt.f32 v27, v3  }
0x52: {  	v4 =	vsel vm11, $0xF, v4;
	v30 =	vsel vm11, v27, v5;
	vm1 =	vmor vm12, vm11  }
0x53: {  	v3 =	vsel vm13, v27, v3;
	v4 =	vsel vm12, v2, v4;
	v2 =	vsel vm12, $0xF, v2  }
0x54: {  	v31 =	vld [tilespmem:s30+$0x2080];
	v6 =	vsel vm12, v1, v30;
	v1 =	vsel vm12, v27, v1;
	v3 =	vsel vm1, v5, v3  }
0x55: {  	vm14 =	vgt.f32 v29, v6;
	vm15 =	vgt.f32 v29, v1;
	vm4 =	vgt.f32 v29, v3  }
0x56: {  	v4 =	vsel vm14, $0x10, v4;
	v32 =	vsel vm14, v29, v6;
	vm0 =	vmor vm15, vm14  }
0x57: {  	v3 =	vsel vm4, v29, v3;
	v4 =	vsel vm15, v2, v4;
	v2 =	vsel vm15, $0x10, v2  }
0x58: {  	v33 =	vld [tilespmem:s30+$0x2100];
	v5 =	vsel vm15, v1, v32;
	v1 =	vsel vm15, v29, v1;
	v3 =	vsel vm0, v6, v3  }
0x59: {  	vm5 =	vgt.f32 v31, v5;
	vm6 =	vgt.f32 v31, v1;
	vm7 =	vgt.f32 v31, v3  }
0x5a: {  	v4 =	vsel vm5, $0x11, v4;
	v34 =	vsel vm5, v31, v5;
	vm1 =	vmor vm6, vm5  }
0x5b: {  	v3 =	vsel vm7, v31, v3;
	v4 =	vsel vm6, v2, v4;
	v2 =	vsel vm6, $0x11, v2  }
0x5c: {  	v35 =	vld [tilespmem:s30+$0x2180];
	v6 =	vsel vm6, v1, v34;
	v1 =	vsel vm6, v31, v1;
	v3 =	vsel vm1, v5, v3  }
0x5d: {  	vm8 =	vgt.f32 v33, v6;
	vm9 =	vgt.f32 v33, v1;
	vm10 =	vgt.f32 v33, v3  }
0x5e: {  	v4 =	vsel vm8, $0x12, v4;
	v36 =	vsel vm8, v33, v6;
	vm0 =	vmor vm9, vm8  }
0x5f: {  	v3 =	vsel vm10, v33, v3;
	v4 =	vsel vm9, v2, v4;
	v2 =	vsel vm9, $0x12, v2  }
0x60: {  	v37 =	vld [tilespmem:s30+$0x2200];
	v5 =	vsel vm9, v1, v36;
	v1 =	vsel vm9, v33, v1;
	v3 =	vsel vm0, v6, v3  }
0x61: {  	vm11 =	vgt.f32 v35, v5;
	vm12 =	vgt.f32 v35, v1;
	vm13 =	vgt.f32 v35, v3  }
0x62: {  	v4 =	vsel vm11, $0x13, v4;
	v38 =	vsel vm11, v35, v5;
	vm1 =	vmor vm12, vm11  }
0x63: {  	v3 =	vsel vm13, v35, v3;
	v4 =	vsel vm12, v2, v4;
	v2 =	vsel vm12, $0x13, v2  }
0x64: {  	v39 =	vld [tilespmem:s30+$0x2280];
	v6 =	vsel vm12, v1, v38;
	v1 =	vsel vm12, v35, v1;
	v3 =	vsel vm1, v5, v3  }
0x65: {  	vm14 =	vgt.f32 v37, v6;
	vm15 =	vgt.f32 v37, v1;
	vm4 =	vgt.f32 v37, v3  }
0x66: {  	v4 =	vsel vm14, $0x14, v4;
	v40 =	vsel vm14, v37, v6;
	vm0 =	vmor vm15, vm14  }
0x67: {  	v3 =	vsel vm4, v37, v3;
	v4 =	vsel vm15, v2, v4;
	v2 =	vsel vm15, $0x14, v2  }
0x68: {  	v41 =	vld [tilespmem:s30+$0x2300];
	v5 =	vsel vm15, v1, v40;
	v1 =	vsel vm15, v37, v1;
	v3 =	vsel vm0, v6, v3  }
0x69: {  	vm5 =	vgt.f32 v39, v5;
	vm6 =	vgt.f32 v39, v1;
	vm7 =	vgt.f32 v39, v3  }
0x6a: {  	v4 =	vsel vm5, $0x15, v4;
	v42 =	vsel vm5, v39, v5;
	vm1 =	vmor vm6, vm5  }
0x6b: {  	v3 =	vsel vm7, v39, v3;
	v4 =	vsel vm6, v2, v4;
	v2 =	vsel vm6, $0x15, v2  }
0x6c: {  	v43 =	vld [tilespmem:s30+$0x2380];
	v6 =	vsel vm6, v1, v42;
	v1 =	vsel vm6, v39, v1;
	v3 =	vsel vm1, v5, v3  }
0x6d: {  	vm8 =	vgt.f32 v41, v6;
	vm9 =	vgt.f32 v41, v1;
	vm10 =	vgt.f32 v41, v3  }
0x6e: {  	v4 =	vsel vm8, $0x16, v4;
	v44 =	vsel vm8, v41, v6;
	vm0 =	vmor vm9, vm8  }
0x6f: {  	v3 =	vsel vm10, v41, v3;
	v4 =	vsel vm9, v2, v4;
	v2 =	vsel vm9, $0x16, v2  }
0x70: {  	v5 =	vsel vm9, v1, v44;
	v1 =	vsel vm9, v41, v1;
	v3 =	vsel vm0, v6, v3  }
0x71: {  	v45 =	vld [tilespmem:s30+$0x3000];
	v41 =	vimm.s32 $0x0;
	vm11 =	vgt.f32 v43, v5;
	vm12 =	vgt.f32 v43, v1  }
0x72: {  	vm13 =	vgt.f32 v43, v3;
	v4 =	vsel vm11, $0x17, v4;
	v46 =	vsel vm11, v43, v5  }
0x73: {  	vm1 =	vmor vm12, vm11;
	v3 =	vsel vm13, v43, v3;
	v4 =	vsel vm12, v2, v4  }
0x74: {  	v2 =	vsel vm12, $0x17, v2;
	v6 =	vsel vm12, v1, v46;
	v1 =	vsel vm12, v43, v1  }
0x75: {  	v47 =	vld [tilespmem:s30+$0x3080];
	v3 =	vsel vm1, v5, v3;
	v43 =	vimm.s32 $0x0;
	v46 =	vimm.s32 $0x0  }
0x76: {  	vm14 =	vgt.f32 v45, v6;
	vm15 =	vgt.f32 v45, v1;
	vm4 =	vgt.f32 v45, v3  }
0x77: {  	v4 =	vsel vm14, $0x18, v4;
	v48 =	vsel vm14, v45, v6;
	vm0 =	vmor vm15, vm14  }
0x78: {  	v3 =	vsel vm4, v45, v3;
	v4 =	vsel vm15, v2, v4;
	v2 =	vsel vm15, $0x18, v2  }
0x79: {  	v49 =	vld [tilespmem:s30+$0x3100];
	v5 =	vsel vm15, v1, v48;
	v1 =	vsel vm15, v45, v1;
	v3 =	vsel vm0, v6, v3  }
0x7a: {  	vm5 =	vgt.f32 v47, v5;
	vm6 =	vgt.f32 v47, v1;
	vm7 =	vgt.f32 v47, v3  }
0x7b: {  	v4 =	vsel vm5, $0x19, v4;
	v50 =	vsel vm5, v47, v5;
	vm1 =	vmor vm6, vm5  }
0x7c: {  	v3 =	vsel vm7, v47, v3;
	v4 =	vsel vm6, v2, v4;
	v2 =	vsel vm6, $0x19, v2  }
0x7d: {  	v51 =	vld [tilespmem:s30+$0x3180];
	v6 =	vsel vm6, v1, v50;
	v1 =	vsel vm6, v47, v1;
	v3 =	vsel vm1, v5, v3  }
0x7e: {  	v47 =	vimm.s32 $0x0;
	vm8 =	vgt.f32 v49, v6;
	vm9 =	vgt.f32 v49, v1  }
0x7f: {  	vm10 =	vgt.f32 v49, v3;
	v4 =	vsel vm8, $0x1A, v4;
	v52 =	vsel vm8, v49, v6  }
0x80: {  	vm0 =	vmor vm9, vm8;
	v3 =	vsel vm10, v49, v3;
	v4 =	vsel vm9, v2, v4  }
0x81: {  	v2 =	vsel vm9, $0x1A, v2;
	v5 =	vsel vm9, v1, v52;
	v1 =	vsel vm9, v49, v1  }
0x82: {  	v53 =	vld [tilespmem:s30+$0x3200];
	v3 =	vsel vm0, v6, v3;
	v49 =	vimm.s32 $0x0;
	vm11 =	vgt.f32 v51, v5  }
0x83: {  	vm12 =	vgt.f32 v51, v1;
	vm13 =	vgt.f32 v51, v3;
	v4 =	vsel vm11, $0x1B, v4  }
0x84: {  	v54 =	vsel vm11, v51, v5;
	vm1 =	vmor vm12, vm11;
	v3 =	vsel vm13, v51, v3  }
0x85: {  	v4 =	vsel vm12, v2, v4;
	v2 =	vsel vm12, $0x1B, v2;
	v6 =	vsel vm12, v1, v54  }
0x86: {  	v55 =	vld [tilespmem:s30+$0x3280];
	v1 =	vsel vm12, v51, v1;
	v3 =	vsel vm1, v5, v3;
	v51 =	vimm.s32 $0x0  }
0x87: {  	vm14 =	vgt.f32 v53, v6;
	vm15 =	vgt.f32 v53, v1;
	vm4 =	vgt.f32 v53, v3  }
0x88: {  	v4 =	vsel vm14, $0x1C, v4;
	v56 =	vsel vm14, v53, v6;
	vm0 =	vmor vm15, vm14  }
0x89: {  	v3 =	vsel vm4, v53, v3;
	v4 =	vsel vm15, v2, v4;
	v2 =	vsel vm15, $0x1C, v2  }
0x8a: {  	v57 =	vld [tilespmem:s30+$0x3300];
	v5 =	vsel vm15, v1, v56;
	v1 =	vsel vm15, v53, v1;
	v3 =	vsel vm0, v6, v3  }
0x8b: {  	vm5 =	vgt.f32 v55, v5;
	vm6 =	vgt.f32 v55, v1;
	vm7 =	vgt.f32 v55, v3  }
0x8c: {  	v4 =	vsel vm5, $0x1D, v4;
	v58 =	vsel vm5, v55, v5;
	vm1 =	vmor vm6, vm5  }
0x8d: {  	v3 =	vsel vm7, v55, v3;
	v4 =	vsel vm6, v2, v4;
	v2 =	vsel vm6, $0x1D, v2  }
0x8e: {  	v59 =	vld [tilespmem:s30+$0x3380];
	v6 =	vsel vm6, v1, v58;
	v1 =	vsel vm6, v55, v1;
	v3 =	vsel vm1, v5, v3  }
0x8f: {  	v55 =	vimm.s32 $0x0;
	v58 =	vimm.s32 $0x0;
	vm8 =	vgt.f32 v57, v6  }
0x90: {  	vm9 =	vgt.f32 v57, v1;
	vm10 =	vgt.f32 v57, v3;
	v4 =	vsel vm8, $0x1E, v4  }
0x91: {  	v60 =	vsel vm8, v57, v6;
	vm0 =	vmor vm9, vm8;
	v3 =	vsel vm10, v57, v3  }
0x92: {  	v61 =	vld [tilespmem:s30+$0x4000];
	v4 =	vsel vm9, v2, v4;
	v2 =	vsel vm9, $0x1E, v2;
	v5 =	vsel vm9, v1, v60  }
0x93: {  	v1 =	vsel vm9, v57, v1;
	v3 =	vsel vm0, v6, v3;
	vm11 =	vgt.f32 v59, v5  }
0x94: {  	vm12 =	vgt.f32 v59, v1;
	vm13 =	vgt.f32 v59, v3;
	v4 =	vsel vm11, $0x1F, v4  }
0x95: {  	v62 =	vsel vm11, v59, v5;
	vm1 =	vmor vm12, vm11;
	v3 =	vsel vm13, v59, v3  }
0x96: {  	v4 =	vsel vm12, v2, v4;
	v2 =	vsel vm12, $0x1F, v2;
	v6 =	vsel vm12, v1, v62  }
0x97: {  	v63 =	vld [tilespmem:s30+$0x4080];
	v1 =	vsel vm12, v59, v1;
	v3 =	vsel vm1, v5, v3;
	vm14 =	vgt.f32 v61, v6  }
0x98: {  	vm15 =	vgt.f32 v61, v1;
	vm4 =	vgt.f32 v61, v3;
	v4 =	vsel vm14, $0x20, v4  }
0x99: {  	v12 =	vsel vm14, v61, v6;
	vm0 =	vmor vm15, vm14;
	v3 =	vsel vm4, v61, v3  }
0x9a: {  	v4 =	vsel vm15, v2, v4;
	v2 =	vsel vm15, $0x20, v2;
	v5 =	vsel vm15, v1, v12  }
0x9b: {  	v13 =	vld [tilespmem:s30+$0x4100];
	v1 =	vsel vm15, v61, v1;
	v3 =	vsel vm0, v6, v3;
	v61 =	vimm.s32 $0x0  }
0x9c: {  	vm5 =	vgt.f32 v63, v5;
	vm6 =	vgt.f32 v63, v1;
	vm7 =	vgt.f32 v63, v3  }
0x9d: {  	v4 =	vsel vm5, $0x21, v4;
	v14 =	vsel vm5, v63, v5;
	vm1 =	vmor vm6, vm5  }
0x9e: {  	v3 =	vsel vm7, v63, v3;
	v4 =	vsel vm6, v2, v4;
	v2 =	vsel vm6, $0x21, v2  }
0x9f: {  	v15 =	vld [tilespmem:s30+$0x4180];
	v6 =	vsel vm6, v1, v14;
	v1 =	vsel vm6, v63, v1;
	v3 =	vsel vm1, v5, v3  }
0xa0: {  	vm8 =	vgt.f32 v13, v6;
	vm9 =	vgt.f32 v13, v1;
	vm10 =	vgt.f32 v13, v3  }
0xa1: {  	v4 =	vsel vm8, $0x22, v4;
	v16 =	vsel vm8, v13, v6;
	vm0 =	vmor vm9, vm8  }
0xa2: {  	v3 =	vsel vm10, v13, v3;
	v4 =	vsel vm9, v2, v4;
	v2 =	vsel vm9, $0x22, v2  }
0xa3: {  	v17 =	vld [tilespmem:s30+$0x4200];
	v5 =	vsel vm9, v1, v16;
	v1 =	vsel vm9, v13, v1;
	v3 =	vsel vm0, v6, v3  }
0xa4: {  	vm11 =	vgt.f32 v15, v5;
	vm12 =	vgt.f32 v15, v1;
	vm13 =	vgt.f32 v15, v3  }
0xa5: {  	v4 =	vsel vm11, $0x23, v4;
	v18 =	vsel vm11, v15, v5;
	vm1 =	vmor vm12, vm11  }
0xa6: {  	v3 =	vsel vm13, v15, v3;
	v4 =	vsel vm12, v2, v4;
	v2 =	vsel vm12, $0x23, v2  }
0xa7: {  	v19 =	vld [tilespmem:s30+$0x4280];
	v6 =	vsel vm12, v1, v18;
	v1 =	vsel vm12, v15, v1;
	v3 =	vsel vm1, v5, v3  }
0xa8: {  	vm14 =	vgt.f32 v17, v6;
	vm15 =	vgt.f32 v17, v1;
	vm6 =	vgt.f32 v17, v3  }
0xa9: {  	v4 =	vsel vm14, $0x24, v4;
	vm3 =	vmor vm15, vm14;
	v20 =	vsel vm14, v17, v6  }
0xaa: {  	v3 =	vsel vm6, v17, v3;
	v4 =	vsel vm15, v2, v4;
	v2 =	vsel vm15, $0x24, v2  }
0xab: {  	v21 =	vld [tilespmem:s30+$0x4300];
	v5 =	vsel vm15, v1, v20;
	v1 =	vsel vm15, v17, v1;
	v3 =	vsel vm3, v6, v3  }
0xac: {  	vm7 =	vgt.f32 v19, v1;
	vm8 =	vgt.f32 v19, v5;
	vm9 =	vgt.f32 v19, v3  }
0xad: {  	v4 =	vsel vm8, $0x25, v4;
	v22 =	vsel vm8, v19, v5;
	vm1 =	vmor vm7, vm8  }
0xae: {  	v3 =	vsel vm9, v19, v3;
	v4 =	vsel vm7, v2, v4;
	v6 =	vsel vm7, v1, v22  }
0xaf: {  	v23 =	vld [tilespmem:s30+$0x4380];
	v1 =	vsel vm7, v19, v1;
	v3 =	vsel vm1, v5, v3;
	v2 =	vsel vm7, $0x25, v2  }
0xb0: {  	v22 =	vimm.s32 $0x0;
	vm10 =	vgt.f32 v21, v6;
	vm11 =	vgt.f32 v21, v1  }
0xb1: {  	vm12 =	vgt.f32 v21, v3;
	v24 =	vsel vm10, v21, v6;
	v4 =	vsel vm10, $0x26, v4  }
0xb2: {  	vm1 =	vmor vm11, vm10;
	v3 =	vsel vm12, v21, v3;
	v5 =	vsel vm11, v1, v24  }
0xb3: {  	v25 =	vld [tilespmem:s30+$0x5000];
	v1 =	vsel vm11, v21, v1;
	v4 =	vsel vm11, v2, v4;
	v2 =	vsel vm11, $0x26, v2  }
0xb4: {  	v3 =	vsel vm1, v6, v3;
	vm6 =	vgt.f32 v23, v5;
	vm7 =	vgt.f32 v23, v1  }
0xb5: {  	vm1 =	vgt.f32 v23, v3;
	v10 =	vsel vm6, v23, v5;
	v4 =	vsel vm6, $0x27, v4  }
0xb6: {  	vm14 =	vmor vm7, vm6;
	v3 =	vsel vm1, v23, v3;
	v10 =	vsel vm7, v1, v10  }
0xb7: {  	v1 =	vsel vm7, v23, v1;
	v4 =	vsel vm7, v2, v4;
	v2 =	vsel vm7, $0x27, v2  }
0xb8: {  	v11 =	vld [tilespmem:s30+$0x5080];
	v3 =	vsel vm14, v5, v3;
	vm13 =	vgt.f32 v25, v10;
	vm5 =	vgt.f32 v25, v1  }
0xb9: {  	vm12 =	vgt.f32 v25, v3;
	v26 =	vsel vm13, v25, v10;
	v4 =	vsel vm13, $0x28, v4  }
0xba: {  	vm13 =	vmor vm5, vm13;
	v3 =	vsel vm12, v25, v3;
	v6 =	vsel vm5, v1, v26  }
0xbb: {  	v1 =	vsel vm5, v25, v1;
	v4 =	vsel vm5, v2, v4;
	v2 =	vsel vm5, $0x28, v2  }
0xbc: {  	v27 =	vld [tilespmem:s30+$0x5100];
	v3 =	vsel vm13, v10, v3;
	v25 =	vimm.s32 $0x0;
	v26 =	vimm.s32 $0x0  }
0xbd: {  	vm4 =	vgt.f32 v11, v6;
	vm3 =	vgt.f32 v11, v1;
	vm14 =	vgt.f32 v11, v3  }
0xbe: {  	v12 =	vsel vm4, v11, v6;
	v4 =	vsel vm4, $0x29, v4;
	vm4 =	vmor vm3, vm4  }
0xbf: {  	v13 =	vld [tilespmem:s30+$0x5180];
	v3 =	vsel vm14, v11, v3;
	v28 =	vsel vm3, v1, v12;
	v1 =	vsel vm3, v11, v1  }
0xc0: {  	v4 =	vsel vm3, v2, v4;
	v3 =	vsel vm4, v6, v3;
	v2 =	vsel vm3, $0x29, v2  }
0xc1: {  	vm1 =	vgt.f32 v27, v28;
	vm15 =	vgt.f32 v27, v1;
	vm10 =	vgt.f32 v27, v3  }
0xc2: {  	v30 =	vld [tilespmem:s30+$0x5200];
	v29 =	vsel vm1, v27, v28;
	v4 =	vsel vm1, $0x2A, v4;
	vm2 =	vmor vm15, vm1  }
0xc3: {  	v3 =	vsel vm10, v27, v3;
	v5 =	vsel vm15, v1, v29;
	v1 =	vsel vm15, v27, v1  }
0xc4: {  	v4 =	vsel vm15, v2, v4;
	v2 =	vsel vm15, $0x2A, v2;
	vm0 =	vgt.f32 v13, v5  }
0xc5: {  	v14 =	vld [tilespmem:s30+$0x5280];
	v3 =	vsel vm2, v28, v3;
	vm9 =	vgt.f32 v13, v1;
	v31 =	vsel vm0, v13, v5  }
0xc6: {  	v29 =	vimm.s32 $0x0;
	vm11 =	vgt.f32 v13, v3;
	v8 =	vsel vm9, v1, v31  }
0xc7: {  	v4 =	vsel vm0, $0x2B, v4;
	v1 =	vsel vm9, v13, v1;
	vm8 =	vgt.f32 v30, v8  }
0xc8: {  	v15 =	vld [tilespmem:s30+$0x5300];
	vm0 =	vmor vm9, vm0;
	vm7 =	vgt.f32 v30, v1;
	v32 =	vsel vm8, v30, v8  }
0xc9: {  	v3 =	vsel vm11, v13, v3;
	v4 =	vsel vm9, v2, v4;
	v10 =	vsel vm7, v1, v32  }
0xca: {  	v2 =	vsel vm9, $0x2B, v2;
	v1 =	vsel vm7, v30, v1;
	vm5 =	vgt.f32 v14, v10  }
0xcb: {  	v34 =	vld [tilespmem:s30+$0x5380];
	v3 =	vsel vm0, v5, v3;
	vm6 =	vgt.f32 v14, v1;
	v33 =	vsel vm5, v14, v10  }
0xcc: {  	vm15 =	vgt.f32 v30, v3;
	v4 =	vsel vm8, $0x2C, v4;
	v6 =	vsel vm6, v1, v33  }
0xcd: {  	vm8 =	vmor vm7, vm8;
	v1 =	vsel vm6, v14, v1;
	vm3 =	vgt.f32 v15, v6  }
0xce: {  	v17 =	vld [tilespmem:s30+$0x6000];
	v3 =	vsel vm15, v30, v3;
	vm4 =	vgt.f32 v15, v1;
	v16 =	vsel vm3, v15, v6  }
0xcf: {  	v4 =	vsel vm7, v2, v4;
	v2 =	vsel vm7, $0x2C, v2;
	v16 =	vsel vm4, v1, v16  }
0xd0: {  	v3 =	vsel vm8, v8, v3;
	v1 =	vsel vm4, v15, v1;
	vm1 =	vgt.f32 v34, v16  }
0xd1: {  	v36 =	vld [tilespmem:s30+$0x6080];
	v32 =	vimm.s32 $0x0;
	vm2 =	vgt.f32 v34, v1;
	v35 =	vsel vm1, v34, v16  }
0xd2: {  	vm7 =	vgt.f32 v14, v3;
	v4 =	vsel vm5, $0x2D, v4;
	v7 =	vsel vm2, v1, v35  }
0xd3: {  	vm5 =	vmor vm6, vm5;
	v1 =	vsel vm2, v34, v1;
	vm13 =	vgt.f32 v17, v7  }
0xd4: {  	v19 =	vld [tilespmem:s30+$0x6100];
	v3 =	vsel vm7, v14, v3;
	vm12 =	vgt.f32 v17, v1;
	v18 =	vsel vm13, v17, v7  }
0xd5: {  	v4 =	vsel vm6, v2, v4;
	v2 =	vsel vm6, $0x2D, v2;
	v37 =	vsel vm12, v1, v18  }
0xd6: {  	v3 =	vsel vm5, v10, v3;
	v1 =	vsel vm12, v17, v1;
	vm10 =	vgt.f32 v36, v37  }
0xd7: {  	v39 =	vld [tilespmem:s30+$0x6180];
	v4 =	vsel vm3, $0x2E, v4;
	vm0 =	vgt.f32 v36, v1;
	v38 =	vsel vm10, v36, v37  }
0xd8: {  	vm3 =	vmor vm4, vm3;
	v4 =	vsel vm4, v2, v4;
	v5 =	vsel vm0, v1, v38  }
0xd9: {  	v2 =	vsel vm4, $0x2E, v2;
	v1 =	vsel vm0, v36, v1;
	vm11 =	vgt.f32 v19, v5  }
0xda: {  	v20 =	vld [tilespmem:s30+$0x6200];
	v4 =	vsel vm1, $0x2F, v4;
	vm14 =	vgt.f32 v19, v1;
	v40 =	vsel vm11, v19, v5  }
0xdb: {  	vm1 =	vmor vm2, vm1;
	v4 =	vsel vm2, v2, v4;
	v42 =	vsel vm14, v1, v40  }
0xdc: {  	v2 =	vsel vm2, $0x2F, v2;
	v1 =	vsel vm14, v19, v1;
	vm15 =	vgt.f32 v39, v42  }
0xdd: {  	v21 =	vld [tilespmem:s30+$0x6280];
	vm9 =	vgt.f32 v39, v1;
	v12 =	vsel vm15, $0xFFFFFFFF, v43;
	v44 =	vsel vm15, v39, v42  }
0xde: {  	v4 =	vsel vm13, $0x30, v4;
	vm2 =	vmmov vm10;
	[tilespmem:$0x1FEF0] =	vst v12;
	v12 =	vsel vm9, v1, v44  }
0xdf: {  	v8 =	vsel vm14, $0xFFFFFFFF, v41;
	v1 =	vsel vm9, v39, v1;
	vm14 =	vgt.f32 v20, v12  }
0xe0: {  	v40 =	vimm.s32 $0x0;
	vm7 =	vgt.f32 v20, v1;
	v45 =	vsel vm14, v20, v12  }
0xe1: {  	v22 =	vsel vm14, $0xFFFFFFFF, v22;
	vm14 =	vgt.f32 v15, v3;
	v10 =	vsel vm7, v1, v45  }
0xe2: {  	[tilespmem:$0x1FF00] =	vst v22;
	v22 =	vld [tilespmem:s30+$0x6300];
	v1 =	vsel vm7, v20, v1;
	v3 =	vsel vm14, v15, v3;
	vm15 =	vgt.f32 v21, v10  }
0xe3: {  	vm8 =	vgt.f32 v21, v1;
	v3 =	vsel vm3, v6, v3;
	vm3 =	vmmov vm12  }
0xe4: {  	v14 =	vsel vm15, $0xFFFFFFFF, v46;
	v48 =	vsel vm15, v21, v10;
	v4 =	vsel vm3, v2, v4  }
0xe5: {  	v23 =	vld [tilespmem:s30+$0x6380];
	v2 =	vsel vm3, $0x30, v2;
	[tilespmem:$0x1FF10] =	vst v14;
	v14 =	vsel vm8, $0xFFFFFFFF, v47;
	v4 =	vsel vm2, $0x31, v4  }
0xe6: {  	[tilespmem:$0x1FF20] =	vst v14;
	v14 =	vsel vm8, v1, v48;
	v1 =	vsel vm8, v21, v1;
	v4 =	vsel vm0, v2, v4  }
0xe7: {  	v2 =	vsel vm0, $0x31, v2;
	vm15 =	vgt.f32 v22, v14;
	vm8 =	vgt.f32 v22, v1  }
0xe8: {  	v24 =	vld [tilespmem:s30+$0x7000];
	v15 =	vsel vm15, $0xFFFFFFFF, v49;
	v50 =	vsel vm15, v22, v14;
	v25 =	vsel vm8, $0xFFFFFFFF, v25  }
0xe9: {  	v45 =	vld [tilespmem:$0x1FF20];
	vm15 =	vgt.f32 v34, v3;
	v6 =	vsel vm8, v1, v50;
	v1 =	vsel vm8, v22, v1  }
0xea: {  	v3 =	vsel vm15, v34, v3;
	vm14 =	vgt.f32 v23, v6;
	vm4 =	vgt.f32 v23, v1  }
0xeb: {  	[tilespmem:$0x1FF40] =	vst v15;
	v3 =	vsel vm1, v16, v3;
	v15 =	vsel vm14, $0xFFFFFFFF, v51;
	v52 =	vsel vm14, v23, v6  }
0xec: {  	v26 =	vsel vm4, $0xFFFFFFFF, v26;
	vm8 =	vgt.f32 v17, v3;
	vm14 =	vmor vm12, vm13  }
0xed: {  	v53 =	vld [tilespmem:s30+$0x7080];
	vm13 =	vmmov vm9;
	v54 =	vsel vm4, v1, v52;
	v1 =	vsel vm4, v23, v1  }
0xee: {  	[tilespmem:$0x1FF30] =	vst v8;
	v3 =	vsel vm8, v17, v3;
	vm2 =	vnez.u8 v45;
	vm6 =	vgt.f32 v24, v54  }
0xef: {  	v28 =	vld [tilespmem:$0x1FF30];
	[tilespmem:$0x1FF60] =	vst v15;
	vm15 =	vgt.f32 v24, v1;
	v3 =	vsel vm14, v7, v3;
	v15 =	vsel vm6, $0xFFFFFFFF, v55  }
0xf0: {  	v57 =	vld [tilespmem:s30+$0x7100];
	v56 =	vsel vm6, v24, v54;
	vm5 =	vgt.f32 v36, v3;
	vm6 =	vmor vm0, vm10  }
0xf1: {  	v27 =	vld [tilespmem:$0x1FEF0];
	[tilespmem:$0x1FF80] =	vst v15;
	v15 =	vsel vm15, v1, v56;
	v1 =	vsel vm15, v24, v1;
	v3 =	vsel vm5, v36, v3  }
0xf2: {  	v36 =	vimm.s32 $0x0;
	vm4 =	vgt.f32 v53, v15;
	vm14 =	vgt.f32 v53, v1  }
0xf3: {  	v3 =	vsel vm6, v37, v3;
	v7 =	vsel vm4, $0xFFFFFFFF, v58;
	v59 =	vsel vm4, v53, v15  }
0xf4: {  	v60 =	vld [tilespmem:s30+$0x7180];
	vm10 =	vgt.f32 v19, v3;
	vm4 =	vnez.u8 v28;
	[tilespmem:$0x1FF90] =	vst v7;
	v7 =	vsel vm14, v1, v59  }
0xf5: {  	v47 =	vld [tilespmem:$0x1FF30];
	v1 =	vsel vm14, v53, v1;
	v3 =	vsel vm10, v19, v3;
	vm1 =	vmor vm4, vm11  }
0xf6: {  	vm10 =	vnez.u8 v27;
	vm8 =	vgt.f32 v57, v7;
	vm12 =	vgt.f32 v57, v1  }
0xf7: {  	v3 =	vsel vm1, v5, v3;
	v9 =	vsel vm8, $0xFFFFFFFF, v61;
	v62 =	vsel vm8, v57, v7  }
0xf8: {  	v63 =	vld [tilespmem:s30+$0x7200];
	vm8 =	vmmov vm11;
	vm6 =	vgt.f32 v39, v3;
	[tilespmem:$0x1FFA0] =	vst v9;
	v9 =	vsel vm12, v1, v62  }
0xf9: {  	v1 =	vsel vm12, v57, v1;
	v3 =	vsel vm6, v39, v3;
	v4 =	vsel vm8, $0x32, v4  }
0xfa: {  	v31 =	vld [tilespmem:s30+$0x7280];
	vm8 =	vnez.u8 v47;
	vm5 =	vgt.f32 v60, v9;
	vm11 =	vgt.f32 v60, v1  }
0xfb: {  	v39 =	vld [tilespmem:$0x1FF00];
	v4 =	vsel vm8, v2, v4;
	v5 =	vsel vm5, $0xFFFFFFFF, v29;
	v30 =	vsel vm5, v60, v9  }
0xfc: {  	v2 =	vsel vm8, $0x32, v2;
	vm5 =	vmor vm9, vm10;
	[tilespmem:$0x1FFB0] =	vst v5;
	v5 =	vsel vm11, v1, v30  }
0xfd: {  	v1 =	vsel vm11, v60, v1;
	v3 =	vsel vm5, v42, v3;
	vm4 =	vgt.f32 v63, v5  }
0xfe: {  	v34 =	vld [tilespmem:s30+$0x7300];
	v42 =	vimm.s32 $0x0;
	vm9 =	vgt.f32 v63, v1;
	v33 =	vsel vm4, v63, v5  }
0xff: {  	vm1 =	vgt.f32 v20, v3;
	v18 =	vsel vm4, $0xFFFFFFFF, v32;
	v35 =	vsel vm9, v1, v33  }
0x100: {  	v44 =	vld [tilespmem:$0x1FF10];
	vm3 =	vnez.u8 v39;
	v1 =	vsel vm9, v63, v1;
	vm6 =	vgt.f32 v31, v35  }
0x101: {  	v38 =	vld [tilespmem:s30+$0x7380];
	[tilespmem:$0x1FFC0] =	vst v18;
	v18 =	vsel vm6, $0xFFFFFFFF, v36;
	v37 =	vsel vm6, v31, v35;
	vm6 =	vgt.f32 v31, v1  }
0x102: {  	v3 =	vsel vm1, v20, v3;
	vm4 =	vmor vm7, vm3;
	[tilespmem:$0x1FFD0] =	vst v18;
	v18 =	vsel vm6, v1, v37  }
0x103: {  	v3 =	vsel vm4, v12, v3;
	v1 =	vsel vm6, v31, v1;
	vm5 =	vgt.f32 v34, v18  }
0x104: {  	[tilespmem:$0x1FF50] =	vst v25;
	v48 =	vld [tilespmem:$0x1FF40];
	v12 =	vsel vm5, $0xFFFFFFFF, v40;
	v41 =	vsel vm5, v34, v18;
	vm5 =	vgt.f32 v34, v1  }
0x105: {  	v49 =	vld [tilespmem:$0x1FF50];
	vm1 =	vnez.u8 v44;
	vm4 =	vgt.f32 v21, v3;
	[tilespmem:$0x1FFE0] =	vst v12;
	v12 =	vsel vm5, v1, v41  }
0x106: {  	v3 =	vsel vm4, v21, v3;
	v1 =	vsel vm5, v34, v1;
	vm4 =	vgt.f32 v38, v12  }
0x107: {  	[tilespmem:$0x1FF70] =	vst v26;
	v21 =	vsel vm4, $0xFFFFFFFF, v42;
	v43 =	vsel vm4, v38, v12;
	vm4 =	vgt.f32 v38, v1  }
0x108: {  	v51 =	vld [tilespmem:$0x1FF70];
	vm0 =	vmor vm2, vm1;
	v46 =	vsel vm4, v1, v43;
	v1 =	vsel vm4, v38, v1  }
0x109: {  	v50 =	vld [tilespmem:$0x1FF60];
	vm8 =	vnez.u8 v48;
	v3 =	vsel vm0, v10, v3;
	v1 =	vsub.f32 v46, v1  }
0x10a: {  	v4 =	vsel vm10, $0x33, v4;
	vm10 =	vnez.u8 v49;
	vm0 =	vgt.f32 v22, v3  }
0x10b: {  	v3 =	vsel vm0, v22, v3;
	vm0 =	vmor vm10, vm8;
	v1 =	vmul.f32 $1.442695020e+00, v1  }
0x10c: {  	v52 =	vld [tilespmem:$0x1FF80];
	v4 =	vsel vm13, v2, v4;
	v2 =	vsel vm13, $0x33, v2;
	v3 =	vsel vm0, v14, v3  }
0x10d: {  	vm13 =	vnez.u8 v51;
	vm0 =	vgt.f32 v23, v3;
	(erf) = vpow2.f32 v1  }
0x10e: {  	v1 =	vsel vm0, v23, v3;
	v3 =	vsel vm3, $0x34, v4;
	vm3 =	vnez.u8 v50  }
0x10f: {  	vm0 =	vmor vm13, vm3;
	v3 =	vsel vm7, v2, v3;
	v2 =	vsel vm7, $0x34, v2  }
0x110: {  	v1 =	vsel vm0, v6, v1;
	v3 =	vsel vm1, $0x35, v3;
	vm1 =	vmmov vm2  }
0x111: {  	vm0 =	vgt.f32 v24, v1;
	v3 =	vsel vm2, v2, v3;
	vm2 =	vnez.u8 v52  }
0x112: {  	v1 =	vsel vm0, v24, v1;
	vm7 =	vmor vm15, vm2  }
0x113: {  	v1 =	vsel vm7, v54, v1  }
0x114: {  	vm0 =	vgt.f32 v53, v1  }
0x115: {  	v1 =	vsel vm0, v53, v1;
	v53 =	vld [tilespmem:$0x1FF90];
	_ =	sdelay $0x1  }
0x116: {  	v55 =	vld [tilespmem:$0x1FFA0];
	_ =	sdelay $0x2  }
0x117: {  	v2 =	vsel vm1, $0x35, v2;
	v3 =	vsel vm8, $0x36, v3;
	vm7 =	vnez.u8 v53  }
0x118: {  	v3 =	vsel vm10, v2, v3;
	v2 =	vsel vm10, $0x36, v2;
	vm8 =	vmor vm14, vm7  }
0x119: {  	v58 =	vld [tilespmem:$0x1FFC0];
	vm10 =	vnez.u8 v55;
	v3 =	vsel vm3, $0x37, v3;
	v1 =	vsel vm8, v15, v1  }
0x11a: {  	v61 =	vld [tilespmem:$0x1FFE0];
	v3 =	vsel vm13, v2, v3;
	v2 =	vsel vm13, $0x37, v2;
	v54 =	vpop (erf);
	vm0 =	vgt.f32 v57, v1  }
0x11b: {  	v3 =	vsel vm2, $0x38, v3;
	v56 =	vadd.f32 $1.000000000e+00, v54;
	v1 =	vsel vm0, v57, v1;
	v57 =	vld [tilespmem:$0x1FFB0]  }
0x11c: {  	vm13 =	vmor vm12, vm10;
	v3 =	vsel vm15, v2, v3  }
0x11d: {  	v2 =	vsel vm15, $0x38, v2;
	(erf) = vrcp.f32 v56;
	v3 =	vsel vm7, $0x39, v3  }
0x11e: {  	v59 =	vld [tilespmem:$0x1FFD0];
	v3 =	vsel vm14, v2, v3;
	v2 =	vsel vm14, $0x39, v2;
	vm8 =	vnez.u8 v58  }
0x11f: {  	vm14 =	vnez.u8 v61;
	v3 =	vsel vm10, $0x3A, v3;
	v1 =	vsel vm13, v7, v1  }
0x120: {  	vm10 =	vmor vm9, vm8;
	vm0 =	vgt.f32 v60, v1;
	vm15 =	vnez.u8 v57  }
0x121: {  	v3 =	vsel vm12, v2, v3;
	v1 =	vsel vm0, v60, v1;
	vm7 =	vmor vm11, vm15  }
0x122: {  	v2 =	vsel vm12, $0x3A, v2;
	v3 =	vsel vm15, $0x3B, v3;
	v1 =	vsel vm7, v9, v1  }
0x123: {  	[tilespmem:$0x1FFF0] =	vst v21;
	vm12 =	vnez.u8 v59;
	v3 =	vsel vm11, v2, v3;
	vm0 =	vgt.f32 v63, v1  }
0x124: {  	v62 =	vld [tilespmem:$0x1FFF0];
	v2 =	vsel vm11, $0x3B, v2;
	v3 =	vsel vm8, $0x3C, v3;
	v1 =	vsel vm0, v63, v1  }
0x125: {  	vm13 =	vmor vm6, vm12;
	v3 =	vsel vm9, v2, v3;
	v1 =	vsel vm10, v5, v1  }
0x126: {  	v60 =	vpop (erf);
	v2 =	vsel vm9, $0x3C, v2;
	v3 =	vsel vm12, $0x3D, v3;
	vm0 =	vgt.f32 v31, v1  }
0x127: {  	v4 =	vmul.f32 v60, v54;
	v3 =	vsel vm6, v2, v3;
	v1 =	vsel vm0, v31, v1  }
0x128: {  	v2 =	vsel vm6, $0x3D, v2;
	v3 =	vsel vm14, $0x3E, v3;
	v1 =	vsel vm13, v35, v1  }
0x129: {  	vm15 =	vnez.u8 v62;
	v3 =	vsel vm5, v2, v3;
	vm0 =	vgt.f32 v34, v1  }
0x12a: {  	p0 =	sne.s32 s29, $0x1F0;
	[tilespmem:s26+$0x0] =	vst v60;
	v2 =	vsel vm5, $0x3E, v2;
	v1 =	vsel vm0, v34, v1;
	vm0 =	vmor vm5, vm14  }
.Ltmp0:
0x12b: {  	[tilespmem:s25+$0x0] =	vst v4;
	v3 =	vsel vm15, $0x3F, v3;
	v63 =	vsel vm4, $0x3F, v2;
	v1 =	vsel vm0, v18, v1;
	(pc) =	sbr.rel @p0 .LBB2_2-.Ltmp0, $4  }
0x12c: {  	v2 =	vsel vm4, v2, v3;
	[tilespmem:s24+$0x0] =	vst v63;
	vm0 =	vgt.f32 v38, v1  }
0x12d: {  	s28 =	sadd.s32 $0x80, s28;
	s29 =	sadd.s32 $0x10, s29;
	vm1 =	vmor vm4, vm15;
	[tilespmem:s23+$0x0] =	vst v2;
	v1 =	vsel vm0, v38, v1  }
0x12e: {  	s26 =	sadd.s32 $0x10, s26;
	s25 =	sadd.s32 $0x10, s25;
	s24 =	sadd.s32 $0x10, s24;
	[tilespmem:s22+$0x0] =	vst v46;
	v1 =	vsel vm1, v12, v1  }
0x12f: {  	s23 =	sadd.s32 $0x10, s23;
	s22 =	sadd.s32 $0x10, s22;
	[tilespmem:s21+$0x0] =	vst v1;
	s21 =	sadd.s32 $0x10, s21  }
0x130: {  	[hbm4b:s4+s2] =	stream.linear.scatter [tilespmem:s14], [sflag:$0x1], $0x200, $0x38;
	[tilespmem:$0x8C00] =	vst v63  }
0x131: {  	_ =	swait.ge [sflag:s13], $0x200  }
0x132: {  	[sflag:s13] =	ssyncset.done $0x0  }
0x133: {  	[sflag:s13] =	ssyncadd.s32 $0xFFFFFE00  }
0x134: {  	[hbm4b:s5+s2] =	stream.linear.scatter [tilespmem:s15], [sflag:$0x1], $0x200, $0x38;
	[tilespmem:$0x8C00] =	vst v63  }
0x135: {  	_ =	swait.ge [sflag:s13], $0x200  }
0x136: {  	[sflag:s13] =	ssyncset.done $0x0  }
0x137: {  	[sflag:s13] =	ssyncadd.s32 $0xFFFFFE00  }
0x138: {  	[hbm4b:s6+s2] =	stream.linear.scatter [tilespmem:s16], [sflag:$0x1], $0x200, $0x38;
	[tilespmem:$0x8C00] =	vst v63  }
0x139: {  	_ =	swait.ge [sflag:s13], $0x200  }
0x13a: {  	[sflag:s13] =	ssyncset.done $0x0  }
0x13b: {  	[sflag:s13] =	ssyncadd.s32 $0xFFFFFE00  }
0x13c: {  	[hbm4b:s7+s2] =	stream.linear.scatter [tilespmem:s17], [sflag:$0x1], $0x200, $0x38;
	[tilespmem:$0x8C00] =	vst v63  }
0x13d: {  	_ =	swait.ge [sflag:s13], $0x200  }
0x13e: {  	[sflag:s13] =	ssyncset.done $0x0  }
0x13f: {  	[sflag:s13] =	ssyncadd.s32 $0xFFFFFE00  }
0x140: {  	[hbm4b:s8+s2] =	stream.linear.scatter [tilespmem:s18], [sflag:$0x1], $0x200, $0x38;
	[tilespmem:$0x8C00] =	vst v63  }
0x141: {  	s20 =	sadd.s32 $0x1, s20;
	_ =	swait.ge [sflag:s13], $0x200  }
0x142: {  	p0 =	sne.s32 s20, s10;
	[sflag:s13] =	ssyncset.done $0x0  }
.Ltmp1:
0x143: {  	[sflag:s13] =	ssyncadd.s32 $0xFFFFFE00;
	(pc) =	sbr.rel @p0 .LBB2_1-.Ltmp1, $4  }
0x144: {  	[hbm4b:s9+s2] =	stream.linear.scatter [tilespmem:s19], [sflag:$0x1], $0x200, $0x38;
	[tilespmem:$0x8C00] =	vst v63  }
0x145: {  	_ =	swait.ge [sflag:s13], $0x200  }
0x146: {  	[sflag:s13] =	ssyncset.done $0x0  }
0x147: {  	[sflag:s13] =	ssyncadd.s32 $0xFFFFFE00  }
0x148: {  	_ =	sfence.sel $0x180000  }
0x149: {  	[bflag:$0x0] =	sbarrier.arrive $0xFFFF  }
0x14a: {  	p0 =	sne.s32 s1, $0x0;
	_ =	strace $0x90000047  }
0x14b: {  	s0 =	sadd.s32 @!p0 $0x100000, s0;
	[bflag:$0x2] =	sbarrier.arrive $0xFFFF  }
0x14c: {  	[sflag:s0] =	ssyncadd.tile.s32 @!p0 $0x1;
	_ =	shalt  }
.Lfunc_end2:
_tile_overlayer_lowered:
.L_overlay_start_2:
0x14d: {  	(tag) =	ssettag $0x2  }
0x14e: {  	s0 =	rddreg [dreg:$0x0];
	s2 =	stileid.u32  }
0x14f: {  	s1 =	rddreg [dreg:$0x1];
	p0 =	sne.s32 s2, $0x0  }
0x150: {  	s3 =	rddreg [dreg:$0x2];
	[bflag:$0x3] =	sbarrier.arrive $0xFFFF;
	s2 =	simm.s32 @!p0 $0x1C01  }
0x151: {  	[timem:s3], [sflag:s2] =	dma.local @!p0 [hbm:s0], s1  }
0x152: {  	s0 =	simm.s32 @!p0 $0x1  }
0x153: {  	_ =	swait.ge @!p0 [sflag:s0], s1  }
0x154: {  	s1 =	ssub.s32 @!p0 $0x0, s1;
	[sflag:s0] =	ssyncset.done @!p0 $0x0  }
0x155: {  	[sflag:s0] =	ssyncadd.s32 @!p0 s1  }
0x156: {  	[bflag:$0x3] =	sbarrier.arrive $0xFFFF  }
0x157: {  	_ =	shalt  }

</sc_bundles>
